<compile_context>
chip_gen: v7x
topology: tpu7x:2x2x1
jax: 0.10.2.dev20260603
libtpu: 0.0.44.dev20260713+nightly
codegen_flags: <defaults>
</compile_context>

<pallas_src>
import jax
import jax.numpy as jnp
from jax import lax
from jax.experimental import pallas as pl
from jax.experimental.pallas import tpu as pltpu
from jax.experimental.pallas import tpu_sc as plsc

NN = 10000
NE = 320000
D = 128
NC, NS = 2, 16
NW = NC * NS
EPW = NE // NW
CH2 = 125
NCHK2 = 80
WCH = 80
NWC = NN // WCH
TRIPS = -(-NWC // NS)

_mesh = plsc.VectorSubcoreMesh(
    core_axis_name="c", subcore_axis_name="s", num_cores=NC, num_subcores=NS)


def _seg_body(hs_hbm, src_hbm, dst_hbm, out_hbm, srcv, dstv, rowsv, acc, sem):
    c = lax.axis_index("c")
    s = lax.axis_index("s")
    w = s * NC + c

    def fill_z(i, carry):
        def fz2(j, carry2):
            rowsv[i, pl.ds(j * 16, 16)] = jnp.zeros((16,), jnp.float32)
            return carry2

        lax.fori_loop(0, D // 16, fz2, 0)
        return carry

    lax.fori_loop(0, WCH, fill_z, 0)

    def zchunk(k, carry):
        t = k * NS + s

        @pl.when(t < NWC)
        def _():
            pltpu.sync_copy(rowsv.at[pl.ds(0, WCH)],
                            acc.at[pl.ds(t * WCH, WCH)])

        return carry

    lax.fori_loop(0, TRIPS, zchunk, 0)
    plsc.subcore_barrier()

    pltpu.sync_copy(src_hbm.at[w], srcv)
    pltpu.sync_copy(dst_hbm.at[w], dstv)

    def step(k, carry):
        pltpu.async_copy(hs_hbm.at[srcv.at[k]], rowsv, sem).wait()
        pltpu.sync_copy(rowsv, acc.at[dstv.at[k]], add=True)
        return carry

    lax.fori_loop(0, NCHK2, step, 0)
    plsc.subcore_barrier()

    def wchunk(k, carry):
        t = k * NS + s

        @pl.when(t < NWC)
        def _():
            sl = pl.ds(t * WCH, WCH)
            pltpu.sync_copy(acc.at[sl], out_hbm.at[c, sl])

        return carry

    lax.fori_loop(0, TRIPS, wchunk, 0)


def _cnt_body(dst_hbm, out_hbm, dstv, rowsv, acc):
    c = lax.axis_index("c")
    s = lax.axis_index("s")
    w = s * NC + c

    def fill(val):
        def f1(i, carry):
            def f2(j, carry2):
                rowsv[i, pl.ds(j * 16, 16)] = jnp.full((16,), val, jnp.float32)
                return carry2

            lax.fori_loop(0, D // 16, f2, 0)
            return carry

        lax.fori_loop(0, CH2, f1, 0)

    fill(0.0)

    def zchunk(k, carry):
        t = k * NS + s

        @pl.when(t < NWC)
        def _():
            pltpu.sync_copy(rowsv.at[pl.ds(0, WCH)],
                            acc.at[pl.ds(t * WCH, WCH)])

        return carry

    lax.fori_loop(0, TRIPS, zchunk, 0)
    plsc.subcore_barrier()

    fill(1.0)
    pltpu.sync_copy(dst_hbm.at[w], dstv)

    def step(k, carry):
        pltpu.sync_copy(rowsv, acc.at[dstv.at[k]], add=True)
        return carry

    lax.fori_loop(0, NCHK2, step, 0)
    plsc.subcore_barrier()

    def wchunk(k, carry):
        t = k * NS + s

        @pl.when(t < NWC)
        def _():
            sl = pl.ds(t * WCH, WCH)
            pltpu.sync_copy(acc.at[sl], out_hbm.at[c, sl])

        return carry

    lax.fori_loop(0, TRIPS, wchunk, 0)


_cnt_kernel = pl.kernel(
    _cnt_body,
    out_type=jax.ShapeDtypeStruct((NC, NN, D), jnp.float32),
    mesh=_mesh,
    scratch_types=[
        pltpu.VMEM((NCHK2, CH2), jnp.int32),
        pltpu.VMEM((CH2, D), jnp.float32),
        pltpu.VMEM_SHARED((NN, D), jnp.float32),
    ],
)


_seg_kernel = pl.kernel(
    _seg_body,
    out_type=jax.ShapeDtypeStruct((NC, NN, D), jnp.float32),
    mesh=_mesh,
    scratch_types=[
        pltpu.VMEM((NCHK2, CH2), jnp.int32),
        pltpu.VMEM((NCHK2, CH2), jnp.int32),
        pltpu.VMEM((CH2, D), jnp.float32),
        pltpu.VMEM_SHARED((NN, D), jnp.float32),
        pltpu.SemaphoreType.DMA,
    ],
)

BLK = 2000
GRID = NN // BLK


def _dis_block(deg_ref):
    d = deg_ref[0, :, 0:1] + deg_ref[1, :, 0:1] + 1.0
    return lax.rsqrt(d)


def _tc_in_body(x_ref, deg_ref, win_ref, bin_ref, wg0_ref, hs_ref):
    h = jnp.maximum(
        jnp.dot(x_ref[...], win_ref[...], preferred_element_type=jnp.float32)
        + bin_ref[...], 0.0)
    hs_ref[...] = jnp.dot(
        h, wg0_ref[...], preferred_element_type=jnp.float32) * _dis_block(deg_ref)


_tc_in = pl.pallas_call(
    _tc_in_body,
    grid=(GRID,),
    in_specs=[
        pl.BlockSpec((BLK, D), lambda i: (i, 0)),
        pl.BlockSpec((NC, BLK, D), lambda i: (0, i, 0)),
        pl.BlockSpec((D, D), lambda i: (0, 0)),
        pl.BlockSpec((1, D), lambda i: (0, 0)),
        pl.BlockSpec((D, D), lambda i: (0, 0)),
    ],
    out_specs=pl.BlockSpec((BLK, D), lambda i: (i, 0)),
    out_shape=jax.ShapeDtypeStruct((NN, D), jnp.float32),
)


def _tc_mid_body(s_ref, hs_ref, deg_ref, b_ref, w_ref, o_ref):
    dis = _dis_block(deg_ref)
    h = jnp.maximum(
        dis * (s_ref[0] + s_ref[1] + hs_ref[...]) + b_ref[...], 0.0)
    o_ref[...] = jnp.dot(
        h, w_ref[...], preferred_element_type=jnp.float32) * dis


_tc_mid = pl.pallas_call(
    _tc_mid_body,
    grid=(GRID,),
    in_specs=[
        pl.BlockSpec((NC, BLK, D), lambda i: (0, i, 0)),
        pl.BlockSpec((BLK, D), lambda i: (i, 0)),
        pl.BlockSpec((NC, BLK, D), lambda i: (0, i, 0)),
        pl.BlockSpec((1, D), lambda i: (0, 0)),
        pl.BlockSpec((D, D), lambda i: (0, 0)),
    ],
    out_specs=pl.BlockSpec((BLK, D), lambda i: (i, 0)),
    out_shape=jax.ShapeDtypeStruct((NN, D), jnp.float32),
)


def _tc_fin_body(s_ref, hs_ref, deg_ref, bg_ref, wo1_ref, bo1_ref, wo2_ref,
                 bo2_ref, o_ref, acc_ref):
    i = pl.program_id(0)
    dis = _dis_block(deg_ref)
    h = jnp.maximum(
        dis * (s_ref[0] + s_ref[1] + hs_ref[...]) + bg_ref[...], 0.0)
    part = jnp.sum(h, axis=0, keepdims=True)

    @pl.when(i == 0)
    def _():
        acc_ref[...] = part

    @pl.when(i > 0)
    def _():
        acc_ref[...] += part

    @pl.when(i == GRID - 1)
    def _():
        g = acc_ref[...] * (1.0 / NN)
        o = jnp.maximum(
            jnp.dot(g, wo1_ref[...], preferred_element_type=jnp.float32)
            + bo1_ref[...], 0.0)
        o_ref[...] = jnp.dot(
            o, wo2_ref[...], preferred_element_type=jnp.float32) + bo2_ref[...]


_tc_fin = pl.pallas_call(
    _tc_fin_body,
    grid=(GRID,),
    in_specs=[
        pl.BlockSpec((NC, BLK, D), lambda i: (0, i, 0)),
        pl.BlockSpec((BLK, D), lambda i: (i, 0)),
        pl.BlockSpec((NC, BLK, D), lambda i: (0, i, 0)),
        pl.BlockSpec((1, D), lambda i: (0, 0)),
        pl.BlockSpec((D, D), lambda i: (0, 0)),
        pl.BlockSpec((1, D), lambda i: (0, 0)),
        pl.BlockSpec((D, D), lambda i: (0, 0)),
        pl.BlockSpec((1, D), lambda i: (0, 0)),
    ],
    out_specs=pl.BlockSpec((1, D), lambda i: (0, 0)),
    out_shape=jax.ShapeDtypeStruct((1, D), jnp.float32),
    scratch_shapes=[pltpu.VMEM((1, D), jnp.float32)],
)


def kernel(x, edge_index, W_in, b_in, W_g0, b_g0, W_g1, b_g1, W_g2, b_g2,
           W_o1, b_o1, W_o2, b_o2):
    src = edge_index[0].reshape(NW, NCHK2, CH2)
    dst = edge_index[1].reshape(NW, NCHK2, CH2)
    deg16 = _cnt_kernel(dst)
    hs0 = _tc_in(x, deg16, W_in, b_in.reshape(1, D), W_g0)
    s0 = _seg_kernel(hs0, src, dst)
    hs1 = _tc_mid(s0, hs0, deg16, b_g0.reshape(1, D), W_g1)
    s1 = _seg_kernel(hs1, src, dst)
    hs2 = _tc_mid(s1, hs1, deg16, b_g1.reshape(1, D), W_g2)
    s2 = _seg_kernel(hs2, src, dst)
    return _tc_fin(s2, hs2, deg16, b_g2.reshape(1, D), W_o1,
                   b_o1.reshape(1, D), W_o2, b_o2.reshape(1, D))

# --- scband reference (transcript-rebuilt; emitter-appended) ---
"""Pipeline reference for scband-gnnmodel-52450140618893 (READ-ONLY COPY).

The authoritative reference and input builder live on the scoring server;
editing this copy changes nothing except your own understanding.
"""

import jax, jax.numpy as jnp
import numpy as np

N = 10000
E = 320000
D_IN = 128
D_H = 128
D_OUT = 128


def setup_inputs(seed: int = 0) -> dict:
    key = jax.random.key(seed)
    ks = jax.random.split(key, 16)
    s = 1.0 / np.sqrt(D_H)
    inp = {}
    inp["x"] = jax.random.normal(ks[0], (N, D_IN), dtype=jnp.float32)
    inp["edge_index"] = jax.random.randint(ks[1], (2, E), 0, N, dtype=jnp.int32)
    inp["W_in"] = jax.random.normal(ks[2], (D_IN, D_H), dtype=jnp.float32) * s
    inp["b_in"] = jnp.zeros((D_H,), dtype=jnp.float32)
    inp["W_g0"] = jax.random.normal(ks[3], (D_H, D_H), dtype=jnp.float32) * s
    inp["b_g0"] = jnp.zeros((D_H,), dtype=jnp.float32)
    inp["W_g1"] = jax.random.normal(ks[4], (D_H, D_H), dtype=jnp.float32) * s
    inp["b_g1"] = jnp.zeros((D_H,), dtype=jnp.float32)
    inp["W_g2"] = jax.random.normal(ks[5], (D_H, D_H), dtype=jnp.float32) * s
    inp["b_g2"] = jnp.zeros((D_H,), dtype=jnp.float32)
    inp["W_o1"] = jax.random.normal(ks[6], (D_H, D_OUT), dtype=jnp.float32) * s
    inp["b_o1"] = jnp.zeros((D_OUT,), dtype=jnp.float32)
    inp["W_o2"] = jax.random.normal(ks[7], (D_OUT, D_OUT), dtype=jnp.float32) * s
    inp["b_o2"] = jnp.zeros((D_OUT,), dtype=jnp.float32)
    return inp


def _gcn_conv(h, src, dst, deg_inv_sqrt, W, b):
    # PyG GCNConv: x' = D^{-1/2} (A + I) D^{-1/2} X W + b
    hw = h @ W
    norm = deg_inv_sqrt[src] * deg_inv_sqrt[dst]
    msg = hw[src] * norm[:, None]
    out = jax.ops.segment_sum(msg, dst, num_segments=N)
    return out + b


def reference(x, edge_index, W_in, b_in, W_g0, b_g0, W_g1, b_g1, W_g2, b_g2, W_o1, b_o1, W_o2, b_o2):
    # add self-loops
    loops = jnp.arange(N, dtype=edge_index.dtype)
    src = jnp.concatenate([edge_index[0], loops])
    dst = jnp.concatenate([edge_index[1], loops])
    ones = jnp.ones((src.shape[0],), dtype=jnp.float32)
    deg = jax.ops.segment_sum(ones, dst, num_segments=N)
    deg_inv_sqrt = jnp.where(deg > 0, jax.lax.rsqrt(jnp.maximum(deg, 1e-12)), 0.0)

    h = jax.nn.relu(x @ W_in + b_in)
    # eval mode: dropout is identity, use_batch_norm=False
    h = jax.nn.relu(_gcn_conv(h, src, dst, deg_inv_sqrt, W_g0, b_g0))
    h = jax.nn.relu(_gcn_conv(h, src, dst, deg_inv_sqrt, W_g1, b_g1))
    h = jax.nn.relu(_gcn_conv(h, src, dst, deg_inv_sqrt, W_g2, b_g2))

    # global_mean_pool with batch=None -> single graph
    graph_repr = jnp.mean(h, axis=0, keepdims=True)

    out = jax.nn.relu(graph_repr @ W_o1 + b_o1)
    out = out @ W_o2 + b_o2
    return out

if __name__ == "__main__":
    import jax
    _d = setup_inputs()
    print(jax.jit(kernel)(*tuple(_d.values())))

</pallas_src>

<mosaic_0001>
#map = affine_map<(d0, d1) -> (0, 0, 0)>
module attributes {stable_mosaic.version = 14 : i64} {
  func.func @_cnt_body(%arg0: i32, %arg1: i32, %arg2: memref<32x80x125xi32, #tpu.memory_space<hbm>>, %arg3: memref<2x10000x128xf32, #tpu.memory_space<hbm>>, %arg4: memref<80x125xi32, #tpu.memory_space<vmem>>, %arg5: memref<125x128xf32, #tpu.memory_space<vmem>>, %arg6: memref<10000x128xf32, #tpu.memory_space<vmem_shared>>) attributes {dimension_semantics = [#tpu.dimension_semantics<core_parallel>, #tpu.dimension_semantics<subcore_parallel>], iteration_bounds = array<i64: 2, 16>, scalar_prefetch = 0 : i64, scratch_operands = 3 : i64, tpu.core_type = #tpu.core_type<sc_vector_subcore>, window_params = [{transform_indices = #map}, {transform_indices = #map}]} {
    %mul3A = arith.constant 2 : i32
    %mul3A_0 = arith.muli %arg1, %mul3A : i32
    %add3A = arith.addi %mul3A_0, %arg0 : i32
    %scan3A = arith.constant 0 : i32
    %scan3A_1 = arith.constant 0 : i32
    %scan3A_2 = arith.constant 125 : i32
    %scan3A_3 = arith.addi %scan3A_1, %scan3A_2 : i32
    %scan3A_4 = arith.constant 1 : i32
    scf.for %scan3A_31 = %scan3A_1 to %scan3A_3 step %scan3A_4  : i32 {
      %scan3A_32 = arith.constant 0 : i32
      %scan3A_33 = arith.constant 0 : i32
      %scan3A_34 = arith.constant 8 : i32
      %scan3A_35 = arith.addi %scan3A_33, %scan3A_34 : i32
      %scan3A_36 = arith.constant 1 : i32
      scf.for %scan3A_38 = %scan3A_33 to %scan3A_35 step %scan3A_36  : i32 {
        %broadcast_in_dim3A = arith.constant 0.000000e+00 : f32
        %broadcast_in_dim3A_39 = vector.broadcast %broadcast_in_dim3A : f32 to vector<16xf32>
        %mul3A_40 = arith.constant 16 : i32
        %mul3A_41 = arith.muli %scan3A_38, %mul3A_40 : i32
        %swap3A = arith.index_cast %scan3A_31 : i32 to index
        %swap3A_42 = arith.index_cast %mul3A_41 : i32 to index
        %swap3A_43 = tpu.vector_load %arg5[%swap3A, %swap3A_42] {strides = array<i32>} : memref<125x128xf32, #tpu.memory_space<vmem>>, vector<1x16xf32>,
        %swap3A_44 = vector.shape_cast %swap3A_43 : vector<1x16xf32> to vector<16xf32>
        %swap3A_45 = vector.shape_cast %broadcast_in_dim3A_39 : vector<16xf32> to vector<1x16xf32>
        tpu.vector_store %arg5[%swap3A, %swap3A_42], %swap3A_45 {strides = array<i32>} : memref<125x128xf32, #tpu.memory_space<vmem>>, vector<1x16xf32>,
      }
      %scan3A_37 = arith.constant 8 : i32
    }
    %scan3A_5 = arith.constant 125 : i32
    %scan3A_6 = arith.constant 0 : i32
    %scan3A_7 = arith.constant 0 : i32
    %scan3A_8 = arith.constant 8 : i32
    %scan3A_9 = arith.addi %scan3A_7, %scan3A_8 : i32
    %scan3A_10 = arith.constant 1 : i32
    scf.for %scan3A_31 = %scan3A_7 to %scan3A_9 step %scan3A_10  : i32 {
      %mul3A_32 = arith.constant 16 : i32
      %mul3A_33 = arith.muli %scan3A_31, %mul3A_32 : i32
      %add3A_34 = arith.addi %mul3A_33, %arg1 : i32
      %lt3A = arith.constant 125 : i32
      %lt3A_35 = arith.cmpi slt, %add3A_34, %lt3A : i32
      %convert_element_type3A = arith.extui %lt3A_35 : i1 to i32
      %cond3A = arith.constant 0 : i32
      %cond3A_36 = arith.cmpi ne, %convert_element_type3A, %cond3A : i32
      scf.if %cond3A_36 {
        %mul3A_37 = arith.constant 80 : i32
        %mul3A_38 = arith.muli %add3A_34, %mul3A_37 : i32
        "tpu.region"() ({
          %run_scoped3A = tpu.sem_alloc : memref<!tpu.dma_semaphore, #tpu.memory_space<semaphore_mem>>
          %dma_start3A = arith.constant 0 : i32
          %dma_start3A_39 = arith.constant 0 : i32
          %dma_start3A_40 = tpu.memref_slice %arg5[%dma_start3A, %dma_start3A_39] : memref<125x128xf32, #tpu.memory_space<vmem>> -> memref<80x128xf32, #tpu.memory_space<vmem>>
          %dma_start3A_41 = arith.constant 0 : i32
          %dma_start3A_42 = tpu.memref_slice %arg6[%mul3A_38, %dma_start3A_41] : memref<10000x128xf32, #tpu.memory_space<vmem_shared>> -> memref<80x128xf32, #tpu.memory_space<vmem_shared>>
          %dma_start3A_43 = arith.constant 0 : i32
          %dma_start3A_44 = tpu.memref_slice %arg6[%mul3A_38, %dma_start3A_43] : memref<10000x128xf32, #tpu.memory_space<vmem_shared>> -> memref<80x128xf32, #tpu.memory_space<vmem_shared>>
          %dma_start3A_45 = arith.constant 0 : i32
          %dma_start3A_46 = arith.constant 0 : i32
          %dma_start3A_47 = tpu.memref_slice %arg5[%dma_start3A_45, %dma_start3A_46] : memref<125x128xf32, #tpu.memory_space<vmem>> -> memref<80x128xf32, #tpu.memory_space<vmem>>
          tpu.enqueue_dma source(%dma_start3A_47 : memref<80x128xf32, #tpu.memory_space<vmem>>) target(%dma_start3A_44 : memref<80x128xf32, #tpu.memory_space<vmem_shared>>) target_semaphore(%run_scoped3A : memref<!tpu.dma_semaphore, #tpu.memory_space<semaphore_mem>>)
          %dma_wait3A = arith.constant 0 : i32
          %dma_wait3A_48 = arith.constant 0 : i32
          %dma_wait3A_49 = tpu.memref_slice %arg5[%dma_wait3A, %dma_wait3A_48] : memref<125x128xf32, #tpu.memory_space<vmem>> -> memref<80x128xf32, #tpu.memory_space<vmem>>
          %dma_wait3A_50 = arith.constant 0 : i32
          %dma_wait3A_51 = tpu.memref_slice %arg6[%mul3A_38, %dma_wait3A_50] : memref<10000x128xf32, #tpu.memory_space<vmem_shared>> -> memref<80x128xf32, #tpu.memory_space<vmem_shared>>
          %dma_wait3A_52 = arith.constant 0 : i32
          %dma_wait3A_53 = tpu.memref_slice %arg6[%mul3A_38, %dma_wait3A_52] : memref<10000x128xf32, #tpu.memory_space<vmem_shared>> -> memref<80x128xf32, #tpu.memory_space<vmem_shared>>
          %dma_wait3A_54 = arith.constant 0 : i32
          %dma_wait3A_55 = arith.constant 0 : i32
          %dma_wait3A_56 = tpu.memref_slice %arg5[%dma_wait3A_54, %dma_wait3A_55] : memref<125x128xf32, #tpu.memory_space<vmem>> -> memref<80x128xf32, #tpu.memory_space<vmem>>
          tpu.wait_dma2 semaphore(%run_scoped3A : memref<!tpu.dma_semaphore, #tpu.memory_space<semaphore_mem>>) src(%dma_wait3A_56 : memref<80x128xf32, #tpu.memory_space<vmem>>) dst(%dma_wait3A_53 : memref<80x128xf32, #tpu.memory_space<vmem_shared>>)
          tpu.yield
        }) : () -> ()
      } else {
      }
    }
    %scan3A_11 = arith.constant 8 : i32
    %barrier3A = arith.constant 0 : index
    tpu.barrier barrier_id(%barrier3A)
    %scan3A_12 = arith.constant 0 : i32
    %scan3A_13 = arith.constant 0 : i32
    %scan3A_14 = arith.constant 125 : i32
    %scan3A_15 = arith.addi %scan3A_13, %scan3A_14 : i32
    %scan3A_16 = arith.constant 1 : i32
    scf.for %scan3A_31 = %scan3A_13 to %scan3A_15 step %scan3A_16  : i32 {
      %scan3A_32 = arith.constant 0 : i32
      %scan3A_33 = arith.constant 0 : i32
      %scan3A_34 = arith.constant 8 : i32
      %scan3A_35 = arith.addi %scan3A_33, %scan3A_34 : i32
      %scan3A_36 = arith.constant 1 : i32
      scf.for %scan3A_38 = %scan3A_33 to %scan3A_35 step %scan3A_36  : i32 {
        %broadcast_in_dim3A = arith.constant 1.000000e+00 : f32
        %broadcast_in_dim3A_39 = vector.broadcast %broadcast_in_dim3A : f32 to vector<16xf32>
        %mul3A_40 = arith.constant 16 : i32
        %mul3A_41 = arith.muli %scan3A_38, %mul3A_40 : i32
        %swap3A = arith.index_cast %scan3A_31 : i32 to index
        %swap3A_42 = arith.index_cast %mul3A_41 : i32 to index
        %swap3A_43 = tpu.vector_load %arg5[%swap3A, %swap3A_42] {strides = array<i32>} : memref<125x128xf32, #tpu.memory_space<vmem>>, vector<1x16xf32>,
        %swap3A_44 = vector.shape_cast %swap3A_43 : vector<1x16xf32> to vector<16xf32>
        %swap3A_45 = vector.shape_cast %broadcast_in_dim3A_39 : vector<16xf32> to vector<1x16xf32>
        tpu.vector_store %arg5[%swap3A, %swap3A_42], %swap3A_45 {strides = array<i32>} : memref<125x128xf32, #tpu.memory_space<vmem>>, vector<1x16xf32>,
      }
      %scan3A_37 = arith.constant 8 : i32
    }
    %scan3A_17 = arith.constant 125 : i32
    "tpu.region"() ({
      %run_scoped3A = tpu.sem_alloc : memref<!tpu.dma_semaphore, #tpu.memory_space<semaphore_mem>>
      %dma_start3A = arith.constant 0 : i32
      %dma_start3A_31 = arith.constant 0 : i32
      %dma_start3A_32 = tpu.memref_slice %arg2[%add3A, %dma_start3A, %dma_start3A_31] : memref<32x80x125xi32, #tpu.memory_space<hbm>> -> memref<1x80x125xi32, #tpu.memory_space<hbm>>
      %dma_start3A_33 = tpu.memref_squeeze %dma_start3A_32 : memref<1x80x125xi32, #tpu.memory_space<hbm>> -> memref<80x125xi32, #tpu.memory_space<hbm>>
      %dma_start3A_34 = arith.constant 0 : i32
      %dma_start3A_35 = arith.constant 0 : i32
      %dma_start3A_36 = tpu.memref_slice %arg2[%add3A, %dma_start3A_34, %dma_start3A_35] : memref<32x80x125xi32, #tpu.memory_space<hbm>> -> memref<1x80x125xi32, #tpu.memory_space<hbm>>
      %dma_start3A_37 = tpu.memref_squeeze %dma_start3A_36 : memref<1x80x125xi32, #tpu.memory_space<hbm>> -> memref<80x125xi32, #tpu.memory_space<hbm>>
      tpu.enqueue_dma source(%dma_start3A_37 : memref<80x125xi32, #tpu.memory_space<hbm>>) target(%arg4 : memref<80x125xi32, #tpu.memory_space<vmem>>) target_semaphore(%run_scoped3A : memref<!tpu.dma_semaphore, #tpu.memory_space<semaphore_mem>>)
      %dma_wait3A = arith.constant 0 : i32
      %dma_wait3A_38 = arith.constant 0 : i32
      %dma_wait3A_39 = tpu.memref_slice %arg2[%add3A, %dma_wait3A, %dma_wait3A_38] : memref<32x80x125xi32, #tpu.memory_space<hbm>> -> memref<1x80x125xi32, #tpu.memory_space<hbm>>
      %dma_wait3A_40 = tpu.memref_squeeze %dma_wait3A_39 : memref<1x80x125xi32, #tpu.memory_space<hbm>> -> memref<80x125xi32, #tpu.memory_space<hbm>>
      %dma_wait3A_41 = arith.constant 0 : i32
      %dma_wait3A_42 = arith.constant 0 : i32
      %dma_wait3A_43 = tpu.memref_slice %arg2[%add3A, %dma_wait3A_41, %dma_wait3A_42] : memref<32x80x125xi32, #tpu.memory_space<hbm>> -> memref<1x80x125xi32, #tpu.memory_space<hbm>>
      %dma_wait3A_44 = tpu.memref_squeeze %dma_wait3A_43 : memref<1x80x125xi32, #tpu.memory_space<hbm>> -> memref<80x125xi32, #tpu.memory_space<hbm>>
      tpu.wait_dma2 semaphore(%run_scoped3A : memref<!tpu.dma_semaphore, #tpu.memory_space<semaphore_mem>>) src(%dma_wait3A_44 : memref<80x125xi32, #tpu.memory_space<hbm>>) dst(%arg4 : memref<80x125xi32, #tpu.memory_space<vmem>>)
      tpu.yield
    }) : () -> ()
    %scan3A_18 = arith.constant 0 : i32
    %scan3A_19 = arith.constant 0 : i32
    %scan3A_20 = arith.constant 80 : i32
    %scan3A_21 = arith.addi %scan3A_19, %scan3A_20 : i32
    %scan3A_22 = arith.constant 1 : i32
    scf.for %scan3A_31 = %scan3A_19 to %scan3A_21 step %scan3A_22  : i32 {
      "tpu.region"() ({
        %run_scoped3A = tpu.sem_alloc : memref<!tpu.dma_semaphore, #tpu.memory_space<semaphore_mem>>
        %dma_start3A = arith.constant 0 : i32
        %dma_start3A_32 = tpu.memref_slice %arg4[%scan3A_31, %dma_start3A] : memref<80x125xi32, #tpu.memory_space<vmem>> -> memref<1x125xi32, #tpu.memory_space<vmem>>
        %dma_start3A_33 = tpu.memref_squeeze %dma_start3A_32 : memref<1x125xi32, #tpu.memory_space<vmem>> -> memref<125xi32, #tpu.memory_space<vmem>>
        %dma_start3A_34 = arith.constant 0 : i32
        %dma_start3A_35 = arith.constant 0 : i32
        %dma_start3A_36 = tpu.memref_slice %arg6[%dma_start3A_34, %dma_start3A_35] : memref<10000x128xf32, #tpu.memory_space<vmem_shared>> -> memref<10000x128xf32, #tpu.memory_space<vmem_shared>>
        tpu.enqueue_indirect_dma source(%arg5 : memref<125x128xf32, #tpu.memory_space<vmem>>) target(%dma_start3A_36 : memref<10000x128xf32, #tpu.memory_space<vmem_shared>>) offsets(%dma_start3A_33 : memref<125xi32, #tpu.memory_space<vmem>>) semaphore(%run_scoped3A : memref<!tpu.dma_semaphore, #tpu.memory_space<semaphore_mem>>) {add = true}
        %dma_wait3A = arith.constant 0 : i32
        %dma_wait3A_37 = tpu.memref_slice %arg4[%scan3A_31, %dma_wait3A] : memref<80x125xi32, #tpu.memory_space<vmem>> -> memref<1x125xi32, #tpu.memory_space<vmem>>
        %dma_wait3A_38 = tpu.memref_squeeze %dma_wait3A_37 : memref<1x125xi32, #tpu.memory_space<vmem>> -> memref<125xi32, #tpu.memory_space<vmem>>
        %dma_wait3A_39 = arith.constant 0 : i32
        %dma_wait3A_40 = arith.constant 0 : i32
        %dma_wait3A_41 = tpu.memref_slice %arg6[%dma_wait3A_39, %dma_wait3A_40] : memref<10000x128xf32, #tpu.memory_space<vmem_shared>> -> memref<10000x128xf32, #tpu.memory_space<vmem_shared>>
        tpu.wait_indirect_dma semaphore(%run_scoped3A : memref<!tpu.dma_semaphore, #tpu.memory_space<semaphore_mem>>) src(%arg5 : memref<125x128xf32, #tpu.memory_space<vmem>>) dst(%dma_wait3A_41 : memref<10000x128xf32, #tpu.memory_space<vmem_shared>>)
        tpu.yield
      }) : () -> ()
    }
    %scan3A_23 = arith.constant 80 : i32
    %barrier3A_24 = arith.constant 0 : index
    tpu.barrier barrier_id(%barrier3A_24)
    %scan3A_25 = arith.constant 0 : i32
    %scan3A_26 = arith.constant 0 : i32
    %scan3A_27 = arith.constant 8 : i32
    %scan3A_28 = arith.addi %scan3A_26, %scan3A_27 : i32
    %scan3A_29 = arith.constant 1 : i32
    scf.for %scan3A_31 = %scan3A_26 to %scan3A_28 step %scan3A_29  : i32 {
      %mul3A_32 = arith.constant 16 : i32
      %mul3A_33 = arith.muli %scan3A_31, %mul3A_32 : i32
      %add3A_34 = arith.addi %mul3A_33, %arg1 : i32
      %lt3A = arith.constant 125 : i32
      %lt3A_35 = arith.cmpi slt, %add3A_34, %lt3A : i32
      %convert_element_type3A = arith.extui %lt3A_35 : i1 to i32
      %cond3A = arith.constant 0 : i32
      %cond3A_36 = arith.cmpi ne, %convert_element_type3A, %cond3A : i32
      scf.if %cond3A_36 {
        %mul3A_37 = arith.constant 80 : i32
        %mul3A_38 = arith.muli %add3A_34, %mul3A_37 : i32
        "tpu.region"() ({
          %run_scoped3A = tpu.sem_alloc : memref<!tpu.dma_semaphore, #tpu.memory_space<semaphore_mem>>
          %dma_start3A = arith.constant 0 : i32
          %dma_start3A_39 = tpu.memref_slice %arg3[%arg0, %mul3A_38, %dma_start3A] : memref<2x10000x128xf32, #tpu.memory_space<hbm>> -> memref<1x80x128xf32, #tpu.memory_space<hbm>>
          %dma_start3A_40 = tpu.memref_squeeze %dma_start3A_39 : memref<1x80x128xf32, #tpu.memory_space<hbm>> -> memref<80x128xf32, #tpu.memory_space<hbm>>
          %dma_start3A_41 = arith.constant 0 : i32
          %dma_start3A_42 = tpu.memref_slice %arg6[%mul3A_38, %dma_start3A_41] : memref<10000x128xf32, #tpu.memory_space<vmem_shared>> -> memref<80x128xf32, #tpu.memory_space<vmem_shared>>
          tpu.enqueue_dma source(%dma_start3A_42 : memref<80x128xf32, #tpu.memory_space<vmem_shared>>) target(%dma_start3A_40 : memref<80x128xf32, #tpu.memory_space<hbm>>) target_semaphore(%run_scoped3A : memref<!tpu.dma_semaphore, #tpu.memory_space<semaphore_mem>>)
          %dma_wait3A = arith.constant 0 : i32
          %dma_wait3A_43 = tpu.memref_slice %arg3[%arg0, %mul3A_38, %dma_wait3A] : memref<2x10000x128xf32, #tpu.memory_space<hbm>> -> memref<1x80x128xf32, #tpu.memory_space<hbm>>
          %dma_wait3A_44 = tpu.memref_squeeze %dma_wait3A_43 : memref<1x80x128xf32, #tpu.memory_space<hbm>> -> memref<80x128xf32, #tpu.memory_space<hbm>>
          %dma_wait3A_45 = arith.constant 0 : i32
          %dma_wait3A_46 = tpu.memref_slice %arg6[%mul3A_38, %dma_wait3A_45] : memref<10000x128xf32, #tpu.memory_space<vmem_shared>> -> memref<80x128xf32, #tpu.memory_space<vmem_shared>>
          tpu.wait_dma2 semaphore(%run_scoped3A : memref<!tpu.dma_semaphore, #tpu.memory_space<semaphore_mem>>) src(%dma_wait3A_46 : memref<80x128xf32, #tpu.memory_space<vmem_shared>>) dst(%dma_wait3A_44 : memref<80x128xf32, #tpu.memory_space<hbm>>)
          tpu.yield
        }) : () -> ()
      } else {
      }
    }
    %scan3A_30 = arith.constant 8 : i32
    return
  }
}

#map = affine_map<(d0, d1) -> (0, 0)>
#map1 = affine_map<(d0, d1) -> (0, 0, 0)>
module attributes {stable_mosaic.version = 14 : i64} {
  func.func @_seg_body(%arg0: i32, %arg1: i32, %arg2: memref<10000x128xf32, #tpu.memory_space<hbm>>, %arg3: memref<32x80x125xi32, #tpu.memory_space<hbm>>, %arg4: memref<32x80x125xi32, #tpu.memory_space<hbm>>, %arg5: memref<2x10000x128xf32, #tpu.memory_space<hbm>>, %arg6: memref<80x125xi32, #tpu.memory_space<vmem>>, %arg7: memref<80x125xi32, #tpu.memory_space<vmem>>, %arg8: memref<125x128xf32, #tpu.memory_space<vmem>>, %arg9: memref<10000x128xf32, #tpu.memory_space<vmem_shared>>, %arg10: memref<!tpu.dma_semaphore, #tpu.memory_space<semaphore_mem>>) attributes {dimension_semantics = [#tpu.dimension_semantics<core_parallel>, #tpu.dimension_semantics<subcore_parallel>], iteration_bounds = array<i64: 2, 16>, scalar_prefetch = 0 : i64, scratch_operands = 5 : i64, tpu.core_type = #tpu.core_type<sc_vector_subcore>, window_params = [{transform_indices = #map}, {transform_indices = #map1}, {transform_indices = #map1}, {transform_indices = #map1}]} {
    %mul3A = arith.constant 2 : i32
    %mul3A_0 = arith.muli %arg1, %mul3A : i32
    %add3A = arith.addi %mul3A_0, %arg0 : i32
    %scan3A = arith.constant 0 : i32
    %scan3A_1 = arith.constant 0 : i32
    %scan3A_2 = arith.constant 80 : i32
    %scan3A_3 = arith.addi %scan3A_1, %scan3A_2 : i32
    %scan3A_4 = arith.constant 1 : i32
    scf.for %scan3A_25 = %scan3A_1 to %scan3A_3 step %scan3A_4  : i32 {
      %scan3A_26 = arith.constant 0 : i32
      %scan3A_27 = arith.constant 0 : i32
      %scan3A_28 = arith.constant 8 : i32
      %scan3A_29 = arith.addi %scan3A_27, %scan3A_28 : i32
      %scan3A_30 = arith.constant 1 : i32
      scf.for %scan3A_32 = %scan3A_27 to %scan3A_29 step %scan3A_30  : i32 {
        %broadcast_in_dim3A = arith.constant 0.000000e+00 : f32
        %broadcast_in_dim3A_33 = vector.broadcast %broadcast_in_dim3A : f32 to vector<16xf32>
        %mul3A_34 = arith.constant 16 : i32
        %mul3A_35 = arith.muli %scan3A_32, %mul3A_34 : i32
        %swap3A = arith.index_cast %scan3A_25 : i32 to index
        %swap3A_36 = arith.index_cast %mul3A_35 : i32 to index
        %swap3A_37 = tpu.vector_load %arg8[%swap3A, %swap3A_36] {strides = array<i32>} : memref<125x128xf32, #tpu.memory_space<vmem>>, vector<1x16xf32>,
        %swap3A_38 = vector.shape_cast %swap3A_37 : vector<1x16xf32> to vector<16xf32>
        %swap3A_39 = vector.shape_cast %broadcast_in_dim3A_33 : vector<16xf32> to vector<1x16xf32>
        tpu.vector_store %arg8[%swap3A, %swap3A_36], %swap3A_39 {strides = array<i32>} : memref<125x128xf32, #tpu.memory_space<vmem>>, vector<1x16xf32>,
      }
      %scan3A_31 = arith.constant 8 : i32
    }
    %scan3A_5 = arith.constant 80 : i32
    %scan3A_6 = arith.constant 0 : i32
    %scan3A_7 = arith.constant 0 : i32
    %scan3A_8 = arith.constant 8 : i32
    %scan3A_9 = arith.addi %scan3A_7, %scan3A_8 : i32
    %scan3A_10 = arith.constant 1 : i32
    scf.for %scan3A_25 = %scan3A_7 to %scan3A_9 step %scan3A_10  : i32 {
      %mul3A_26 = arith.constant 16 : i32
      %mul3A_27 = arith.muli %scan3A_25, %mul3A_26 : i32
      %add3A_28 = arith.addi %mul3A_27, %arg1 : i32
      %lt3A = arith.constant 125 : i32
      %lt3A_29 = arith.cmpi slt, %add3A_28, %lt3A : i32
      %convert_element_type3A = arith.extui %lt3A_29 : i1 to i32
      %cond3A = arith.constant 0 : i32
      %cond3A_30 = arith.cmpi ne, %convert_element_type3A, %cond3A : i32
      scf.if %cond3A_30 {
        %mul3A_31 = arith.constant 80 : i32
        %mul3A_32 = arith.muli %add3A_28, %mul3A_31 : i32
        "tpu.region"() ({
          %run_scoped3A = tpu.sem_alloc : memref<!tpu.dma_semaphore, #tpu.memory_space<semaphore_mem>>
          %dma_start3A = arith.constant 0 : i32
          %dma_start3A_33 = arith.constant 0 : i32
          %dma_start3A_34 = tpu.memref_slice %arg8[%dma_start3A, %dma_start3A_33] : memref<125x128xf32, #tpu.memory_space<vmem>> -> memref<80x128xf32, #tpu.memory_space<vmem>>
          %dma_start3A_35 = arith.constant 0 : i32
          %dma_start3A_36 = tpu.memref_slice %arg9[%mul3A_32, %dma_start3A_35] : memref<10000x128xf32, #tpu.memory_space<vmem_shared>> -> memref<80x128xf32, #tpu.memory_space<vmem_shared>>
          %dma_start3A_37 = arith.constant 0 : i32
          %dma_start3A_38 = tpu.memref_slice %arg9[%mul3A_32, %dma_start3A_37] : memref<10000x128xf32, #tpu.memory_space<vmem_shared>> -> memref<80x128xf32, #tpu.memory_space<vmem_shared>>
          %dma_start3A_39 = arith.constant 0 : i32
          %dma_start3A_40 = arith.constant 0 : i32
          %dma_start3A_41 = tpu.memref_slice %arg8[%dma_start3A_39, %dma_start3A_40] : memref<125x128xf32, #tpu.memory_space<vmem>> -> memref<80x128xf32, #tpu.memory_space<vmem>>
          tpu.enqueue_dma source(%dma_start3A_41 : memref<80x128xf32, #tpu.memory_space<vmem>>) target(%dma_start3A_38 : memref<80x128xf32, #tpu.memory_space<vmem_shared>>) target_semaphore(%run_scoped3A : memref<!tpu.dma_semaphore, #tpu.memory_space<semaphore_mem>>)
          %dma_wait3A = arith.constant 0 : i32
          %dma_wait3A_42 = arith.constant 0 : i32
          %dma_wait3A_43 = tpu.memref_slice %arg8[%dma_wait3A, %dma_wait3A_42] : memref<125x128xf32, #tpu.memory_space<vmem>> -> memref<80x128xf32, #tpu.memory_space<vmem>>
          %dma_wait3A_44 = arith.constant 0 : i32
          %dma_wait3A_45 = tpu.memref_slice %arg9[%mul3A_32, %dma_wait3A_44] : memref<10000x128xf32, #tpu.memory_space<vmem_shared>> -> memref<80x128xf32, #tpu.memory_space<vmem_shared>>
          %dma_wait3A_46 = arith.constant 0 : i32
          %dma_wait3A_47 = tpu.memref_slice %arg9[%mul3A_32, %dma_wait3A_46] : memref<10000x128xf32, #tpu.memory_space<vmem_shared>> -> memref<80x128xf32, #tpu.memory_space<vmem_shared>>
          %dma_wait3A_48 = arith.constant 0 : i32
          %dma_wait3A_49 = arith.constant 0 : i32
          %dma_wait3A_50 = tpu.memref_slice %arg8[%dma_wait3A_48, %dma_wait3A_49] : memref<125x128xf32, #tpu.memory_space<vmem>> -> memref<80x128xf32, #tpu.memory_space<vmem>>
          tpu.wait_dma2 semaphore(%run_scoped3A : memref<!tpu.dma_semaphore, #tpu.memory_space<semaphore_mem>>) src(%dma_wait3A_50 : memref<80x128xf32, #tpu.memory_space<vmem>>) dst(%dma_wait3A_47 : memref<80x128xf32, #tpu.memory_space<vmem_shared>>)
          tpu.yield
        }) : () -> ()
      } else {
      }
    }
    %scan3A_11 = arith.constant 8 : i32
    %barrier3A = arith.constant 0 : index
    tpu.barrier barrier_id(%barrier3A)
    "tpu.region"() ({
      %run_scoped3A = tpu.sem_alloc : memref<!tpu.dma_semaphore, #tpu.memory_space<semaphore_mem>>
      %dma_start3A = arith.constant 0 : i32
      %dma_start3A_25 = arith.constant 0 : i32
      %dma_start3A_26 = tpu.memref_slice %arg3[%add3A, %dma_start3A, %dma_start3A_25] : memref<32x80x125xi32, #tpu.memory_space<hbm>> -> memref<1x80x125xi32, #tpu.memory_space<hbm>>
      %dma_start3A_27 = tpu.memref_squeeze %dma_start3A_26 : memref<1x80x125xi32, #tpu.memory_space<hbm>> -> memref<80x125xi32, #tpu.memory_space<hbm>>
      %dma_start3A_28 = arith.constant 0 : i32
      %dma_start3A_29 = arith.constant 0 : i32
      %dma_start3A_30 = tpu.memref_slice %arg3[%add3A, %dma_start3A_28, %dma_start3A_29] : memref<32x80x125xi32, #tpu.memory_space<hbm>> -> memref<1x80x125xi32, #tpu.memory_space<hbm>>
      %dma_start3A_31 = tpu.memref_squeeze %dma_start3A_30 : memref<1x80x125xi32, #tpu.memory_space<hbm>> -> memref<80x125xi32, #tpu.memory_space<hbm>>
      tpu.enqueue_dma source(%dma_start3A_31 : memref<80x125xi32, #tpu.memory_space<hbm>>) target(%arg6 : memref<80x125xi32, #tpu.memory_space<vmem>>) target_semaphore(%run_scoped3A : memref<!tpu.dma_semaphore, #tpu.memory_space<semaphore_mem>>)
      %dma_wait3A = arith.constant 0 : i32
      %dma_wait3A_32 = arith.constant 0 : i32
      %dma_wait3A_33 = tpu.memref_slice %arg3[%add3A, %dma_wait3A, %dma_wait3A_32] : memref<32x80x125xi32, #tpu.memory_space<hbm>> -> memref<1x80x125xi32, #tpu.memory_space<hbm>>
      %dma_wait3A_34 = tpu.memref_squeeze %dma_wait3A_33 : memref<1x80x125xi32, #tpu.memory_space<hbm>> -> memref<80x125xi32, #tpu.memory_space<hbm>>
      %dma_wait3A_35 = arith.constant 0 : i32
      %dma_wait3A_36 = arith.constant 0 : i32
      %dma_wait3A_37 = tpu.memref_slice %arg3[%add3A, %dma_wait3A_35, %dma_wait3A_36] : memref<32x80x125xi32, #tpu.memory_space<hbm>> -> memref<1x80x125xi32, #tpu.memory_space<hbm>>
      %dma_wait3A_38 = tpu.memref_squeeze %dma_wait3A_37 : memref<1x80x125xi32, #tpu.memory_space<hbm>> -> memref<80x125xi32, #tpu.memory_space<hbm>>
      tpu.wait_dma2 semaphore(%run_scoped3A : memref<!tpu.dma_semaphore, #tpu.memory_space<semaphore_mem>>) src(%dma_wait3A_38 : memref<80x125xi32, #tpu.memory_space<hbm>>) dst(%arg6 : memref<80x125xi32, #tpu.memory_space<vmem>>)
      tpu.yield
    }) : () -> ()
    "tpu.region"() ({
      %run_scoped3A = tpu.sem_alloc : memref<!tpu.dma_semaphore, #tpu.memory_space<semaphore_mem>>
      %dma_start3A = arith.constant 0 : i32
      %dma_start3A_25 = arith.constant 0 : i32
      %dma_start3A_26 = tpu.memref_slice %arg4[%add3A, %dma_start3A, %dma_start3A_25] : memref<32x80x125xi32, #tpu.memory_space<hbm>> -> memref<1x80x125xi32, #tpu.memory_space<hbm>>
      %dma_start3A_27 = tpu.memref_squeeze %dma_start3A_26 : memref<1x80x125xi32, #tpu.memory_space<hbm>> -> memref<80x125xi32, #tpu.memory_space<hbm>>
      %dma_start3A_28 = arith.constant 0 : i32
      %dma_start3A_29 = arith.constant 0 : i32
      %dma_start3A_30 = tpu.memref_slice %arg4[%add3A, %dma_start3A_28, %dma_start3A_29] : memref<32x80x125xi32, #tpu.memory_space<hbm>> -> memref<1x80x125xi32, #tpu.memory_space<hbm>>
      %dma_start3A_31 = tpu.memref_squeeze %dma_start3A_30 : memref<1x80x125xi32, #tpu.memory_space<hbm>> -> memref<80x125xi32, #tpu.memory_space<hbm>>
      tpu.enqueue_dma source(%dma_start3A_31 : memref<80x125xi32, #tpu.memory_space<hbm>>) target(%arg7 : memref<80x125xi32, #tpu.memory_space<vmem>>) target_semaphore(%run_scoped3A : memref<!tpu.dma_semaphore, #tpu.memory_space<semaphore_mem>>)
      %dma_wait3A = arith.constant 0 : i32
      %dma_wait3A_32 = arith.constant 0 : i32
      %dma_wait3A_33 = tpu.memref_slice %arg4[%add3A, %dma_wait3A, %dma_wait3A_32] : memref<32x80x125xi32, #tpu.memory_space<hbm>> -> memref<1x80x125xi32, #tpu.memory_space<hbm>>
      %dma_wait3A_34 = tpu.memref_squeeze %dma_wait3A_33 : memref<1x80x125xi32, #tpu.memory_space<hbm>> -> memref<80x125xi32, #tpu.memory_space<hbm>>
      %dma_wait3A_35 = arith.constant 0 : i32
      %dma_wait3A_36 = arith.constant 0 : i32
      %dma_wait3A_37 = tpu.memref_slice %arg4[%add3A, %dma_wait3A_35, %dma_wait3A_36] : memref<32x80x125xi32, #tpu.memory_space<hbm>> -> memref<1x80x125xi32, #tpu.memory_space<hbm>>
      %dma_wait3A_38 = tpu.memref_squeeze %dma_wait3A_37 : memref<1x80x125xi32, #tpu.memory_space<hbm>> -> memref<80x125xi32, #tpu.memory_space<hbm>>
      tpu.wait_dma2 semaphore(%run_scoped3A : memref<!tpu.dma_semaphore, #tpu.memory_space<semaphore_mem>>) src(%dma_wait3A_38 : memref<80x125xi32, #tpu.memory_space<hbm>>) dst(%arg7 : memref<80x125xi32, #tpu.memory_space<vmem>>)
      tpu.yield
    }) : () -> ()
    %scan3A_12 = arith.constant 0 : i32
    %scan3A_13 = arith.constant 0 : i32
    %scan3A_14 = arith.constant 80 : i32
    %scan3A_15 = arith.addi %scan3A_13, %scan3A_14 : i32
    %scan3A_16 = arith.constant 1 : i32
    scf.for %scan3A_25 = %scan3A_13 to %scan3A_15 step %scan3A_16  : i32 {
      %dma_start3A = arith.constant 0 : i32
      %dma_start3A_26 = tpu.memref_slice %arg6[%scan3A_25, %dma_start3A] : memref<80x125xi32, #tpu.memory_space<vmem>> -> memref<1x125xi32, #tpu.memory_space<vmem>>
      %dma_start3A_27 = tpu.memref_squeeze %dma_start3A_26 : memref<1x125xi32, #tpu.memory_space<vmem>> -> memref<125xi32, #tpu.memory_space<vmem>>
      %dma_start3A_28 = arith.constant 0 : i32
      %dma_start3A_29 = arith.constant 0 : i32
      %dma_start3A_30 = tpu.memref_slice %arg2[%dma_start3A_28, %dma_start3A_29] : memref<10000x128xf32, #tpu.memory_space<hbm>> -> memref<10000x128xf32, #tpu.memory_space<hbm>>
      tpu.enqueue_indirect_dma source(%dma_start3A_30 : memref<10000x128xf32, #tpu.memory_space<hbm>>) target(%arg8 : memref<125x128xf32, #tpu.memory_space<vmem>>) offsets(%dma_start3A_27 : memref<125xi32, #tpu.memory_space<vmem>>) semaphore(%arg10 : memref<!tpu.dma_semaphore, #tpu.memory_space<semaphore_mem>>)
      %dma_wait3A = arith.constant 0 : i32
      %dma_wait3A_31 = tpu.memref_slice %arg6[%scan3A_25, %dma_wait3A] : memref<80x125xi32, #tpu.memory_space<vmem>> -> memref<1x125xi32, #tpu.memory_space<vmem>>
      %dma_wait3A_32 = tpu.memref_squeeze %dma_wait3A_31 : memref<1x125xi32, #tpu.memory_space<vmem>> -> memref<125xi32, #tpu.memory_space<vmem>>
      %dma_wait3A_33 = arith.constant 0 : i32
      %dma_wait3A_34 = arith.constant 0 : i32
      %dma_wait3A_35 = tpu.memref_slice %arg2[%dma_wait3A_33, %dma_wait3A_34] : memref<10000x128xf32, #tpu.memory_space<hbm>> -> memref<10000x128xf32, #tpu.memory_space<hbm>>
      tpu.wait_indirect_dma semaphore(%arg10 : memref<!tpu.dma_semaphore, #tpu.memory_space<semaphore_mem>>) src(%dma_wait3A_35 : memref<10000x128xf32, #tpu.memory_space<hbm>>) dst(%arg8 : memref<125x128xf32, #tpu.memory_space<vmem>>)
      "tpu.region"() ({
        %run_scoped3A = tpu.sem_alloc : memref<!tpu.dma_semaphore, #tpu.memory_space<semaphore_mem>>
        %dma_start3A_36 = arith.constant 0 : i32
        %dma_start3A_37 = tpu.memref_slice %arg7[%scan3A_25, %dma_start3A_36] : memref<80x125xi32, #tpu.memory_space<vmem>> -> memref<1x125xi32, #tpu.memory_space<vmem>>
        %dma_start3A_38 = tpu.memref_squeeze %dma_start3A_37 : memref<1x125xi32, #tpu.memory_space<vmem>> -> memref<125xi32, #tpu.memory_space<vmem>>
        %dma_start3A_39 = arith.constant 0 : i32
        %dma_start3A_40 = arith.constant 0 : i32
        %dma_start3A_41 = tpu.memref_slice %arg9[%dma_start3A_39, %dma_start3A_40] : memref<10000x128xf32, #tpu.memory_space<vmem_shared>> -> memref<10000x128xf32, #tpu.memory_space<vmem_shared>>
        tpu.enqueue_indirect_dma source(%arg8 : memref<125x128xf32, #tpu.memory_space<vmem>>) target(%dma_start3A_41 : memref<10000x128xf32, #tpu.memory_space<vmem_shared>>) offsets(%dma_start3A_38 : memref<125xi32, #tpu.memory_space<vmem>>) semaphore(%run_scoped3A : memref<!tpu.dma_semaphore, #tpu.memory_space<semaphore_mem>>) {add = true}
        %dma_wait3A_42 = arith.constant 0 : i32
        %dma_wait3A_43 = tpu.memref_slice %arg7[%scan3A_25, %dma_wait3A_42] : memref<80x125xi32, #tpu.memory_space<vmem>> -> memref<1x125xi32, #tpu.memory_space<vmem>>
        %dma_wait3A_44 = tpu.memref_squeeze %dma_wait3A_43 : memref<1x125xi32, #tpu.memory_space<vmem>> -> memref<125xi32, #tpu.memory_space<vmem>>
        %dma_wait3A_45 = arith.constant 0 : i32
        %dma_wait3A_46 = arith.constant 0 : i32
        %dma_wait3A_47 = tpu.memref_slice %arg9[%dma_wait3A_45, %dma_wait3A_46] : memref<10000x128xf32, #tpu.memory_space<vmem_shared>> -> memref<10000x128xf32, #tpu.memory_space<vmem_shared>>
        tpu.wait_indirect_dma semaphore(%run_scoped3A : memref<!tpu.dma_semaphore, #tpu.memory_space<semaphore_mem>>) src(%arg8 : memref<125x128xf32, #tpu.memory_space<vmem>>) dst(%dma_wait3A_47 : memref<10000x128xf32, #tpu.memory_space<vmem_shared>>)
        tpu.yield
      }) : () -> ()
    }
    %scan3A_17 = arith.constant 80 : i32
    %barrier3A_18 = arith.constant 0 : index
    tpu.barrier barrier_id(%barrier3A_18)
    %scan3A_19 = arith.constant 0 : i32
    %scan3A_20 = arith.constant 0 : i32
    %scan3A_21 = arith.constant 8 : i32
    %scan3A_22 = arith.addi %scan3A_20, %scan3A_21 : i32
    %scan3A_23 = arith.constant 1 : i32
    scf.for %scan3A_25 = %scan3A_20 to %scan3A_22 step %scan3A_23  : i32 {
      %mul3A_26 = arith.constant 16 : i32
      %mul3A_27 = arith.muli %scan3A_25, %mul3A_26 : i32
      %add3A_28 = arith.addi %mul3A_27, %arg1 : i32
      %lt3A = arith.constant 125 : i32
      %lt3A_29 = arith.cmpi slt, %add3A_28, %lt3A : i32
      %convert_element_type3A = arith.extui %lt3A_29 : i1 to i32
      %cond3A = arith.constant 0 : i32
      %cond3A_30 = arith.cmpi ne, %convert_element_type3A, %cond3A : i32
      scf.if %cond3A_30 {
        %mul3A_31 = arith.constant 80 : i32
        %mul3A_32 = arith.muli %add3A_28, %mul3A_31 : i32
        "tpu.region"() ({
          %run_scoped3A = tpu.sem_alloc : memref<!tpu.dma_semaphore, #tpu.memory_space<semaphore_mem>>
          %dma_start3A = arith.constant 0 : i32
          %dma_start3A_33 = tpu.memref_slice %arg5[%arg0, %mul3A_32, %dma_start3A] : memref<2x10000x128xf32, #tpu.memory_space<hbm>> -> memref<1x80x128xf32, #tpu.memory_space<hbm>>
          %dma_start3A_34 = tpu.memref_squeeze %dma_start3A_33 : memref<1x80x128xf32, #tpu.memory_space<hbm>> -> memref<80x128xf32, #tpu.memory_space<hbm>>
          %dma_start3A_35 = arith.constant 0 : i32
          %dma_start3A_36 = tpu.memref_slice %arg9[%mul3A_32, %dma_start3A_35] : memref<10000x128xf32, #tpu.memory_space<vmem_shared>> -> memref<80x128xf32, #tpu.memory_space<vmem_shared>>
          tpu.enqueue_dma source(%dma_start3A_36 : memref<80x128xf32, #tpu.memory_space<vmem_shared>>) target(%dma_start3A_34 : memref<80x128xf32, #tpu.memory_space<hbm>>) target_semaphore(%run_scoped3A : memref<!tpu.dma_semaphore, #tpu.memory_space<semaphore_mem>>)
          %dma_wait3A = arith.constant 0 : i32
          %dma_wait3A_37 = tpu.memref_slice %arg5[%arg0, %mul3A_32, %dma_wait3A] : memref<2x10000x128xf32, #tpu.memory_space<hbm>> -> memref<1x80x128xf32, #tpu.memory_space<hbm>>
          %dma_wait3A_38 = tpu.memref_squeeze %dma_wait3A_37 : memref<1x80x128xf32, #tpu.memory_space<hbm>> -> memref<80x128xf32, #tpu.memory_space<hbm>>
          %dma_wait3A_39 = arith.constant 0 : i32
          %dma_wait3A_40 = tpu.memref_slice %arg9[%mul3A_32, %dma_wait3A_39] : memref<10000x128xf32, #tpu.memory_space<vmem_shared>> -> memref<80x128xf32, #tpu.memory_space<vmem_shared>>
          tpu.wait_dma2 semaphore(%run_scoped3A : memref<!tpu.dma_semaphore, #tpu.memory_space<semaphore_mem>>) src(%dma_wait3A_40 : memref<80x128xf32, #tpu.memory_space<vmem_shared>>) dst(%dma_wait3A_38 : memref<80x128xf32, #tpu.memory_space<hbm>>)
          tpu.yield
        }) : () -> ()
      } else {
      }
    }
    %scan3A_24 = arith.constant 8 : i32
    return
  }
}

#map = affine_map<(d0, d1) -> (0, 0)>
#map1 = affine_map<(d0, d1) -> (0, 0, 0)>
module attributes {stable_mosaic.version = 14 : i64} {
  func.func @_seg_body(%arg0: i32, %arg1: i32, %arg2: memref<10000x128xf32, #tpu.memory_space<hbm>>, %arg3: memref<32x80x125xi32, #tpu.memory_space<hbm>>, %arg4: memref<32x80x125xi32, #tpu.memory_space<hbm>>, %arg5: memref<2x10000x128xf32, #tpu.memory_space<hbm>>, %arg6: memref<80x125xi32, #tpu.memory_space<vmem>>, %arg7: memref<80x125xi32, #tpu.memory_space<vmem>>, %arg8: memref<125x128xf32, #tpu.memory_space<vmem>>, %arg9: memref<10000x128xf32, #tpu.memory_space<vmem_shared>>, %arg10: memref<!tpu.dma_semaphore, #tpu.memory_space<semaphore_mem>>) attributes {dimension_semantics = [#tpu.dimension_semantics<core_parallel>, #tpu.dimension_semantics<subcore_parallel>], iteration_bounds = array<i64: 2, 16>, scalar_prefetch = 0 : i64, scratch_operands = 5 : i64, tpu.core_type = #tpu.core_type<sc_vector_subcore>, window_params = [{transform_indices = #map}, {transform_indices = #map1}, {transform_indices = #map1}, {transform_indices = #map1}]} {
    %mul3A = arith.constant 2 : i32
    %mul3A_0 = arith.muli %arg1, %mul3A : i32
    %add3A = arith.addi %mul3A_0, %arg0 : i32
    %scan3A = arith.constant 0 : i32
    %scan3A_1 = arith.constant 0 : i32
    %scan3A_2 = arith.constant 80 : i32
    %scan3A_3 = arith.addi %scan3A_1, %scan3A_2 : i32
    %scan3A_4 = arith.constant 1 : i32
    scf.for %scan3A_25 = %scan3A_1 to %scan3A_3 step %scan3A_4  : i32 {
      %scan3A_26 = arith.constant 0 : i32
      %scan3A_27 = arith.constant 0 : i32
      %scan3A_28 = arith.constant 8 : i32
      %scan3A_29 = arith.addi %scan3A_27, %scan3A_28 : i32
      %scan3A_30 = arith.constant 1 : i32
      scf.for %scan3A_32 = %scan3A_27 to %scan3A_29 step %scan3A_30  : i32 {
        %broadcast_in_dim3A = arith.constant 0.000000e+00 : f32
        %broadcast_in_dim3A_33 = vector.broadcast %broadcast_in_dim3A : f32 to vector<16xf32>
        %mul3A_34 = arith.constant 16 : i32
        %mul3A_35 = arith.muli %scan3A_32, %mul3A_34 : i32
        %swap3A = arith.index_cast %scan3A_25 : i32 to index
        %swap3A_36 = arith.index_cast %mul3A_35 : i32 to index
        %swap3A_37 = tpu.vector_load %arg8[%swap3A, %swap3A_36] {strides = array<i32>} : memref<125x128xf32, #tpu.memory_space<vmem>>, vector<1x16xf32>,
        %swap3A_38 = vector.shape_cast %swap3A_37 : vector<1x16xf32> to vector<16xf32>
        %swap3A_39 = vector.shape_cast %broadcast_in_dim3A_33 : vector<16xf32> to vector<1x16xf32>
        tpu.vector_store %arg8[%swap3A, %swap3A_36], %swap3A_39 {strides = array<i32>} : memref<125x128xf32, #tpu.memory_space<vmem>>, vector<1x16xf32>,
      }
      %scan3A_31 = arith.constant 8 : i32
    }
    %scan3A_5 = arith.constant 80 : i32
    %scan3A_6 = arith.constant 0 : i32
    %scan3A_7 = arith.constant 0 : i32
    %scan3A_8 = arith.constant 8 : i32
    %scan3A_9 = arith.addi %scan3A_7, %scan3A_8 : i32
    %scan3A_10 = arith.constant 1 : i32
    scf.for %scan3A_25 = %scan3A_7 to %scan3A_9 step %scan3A_10  : i32 {
      %mul3A_26 = arith.constant 16 : i32
      %mul3A_27 = arith.muli %scan3A_25, %mul3A_26 : i32
      %add3A_28 = arith.addi %mul3A_27, %arg1 : i32
      %lt3A = arith.constant 125 : i32
      %lt3A_29 = arith.cmpi slt, %add3A_28, %lt3A : i32
      %convert_element_type3A = arith.extui %lt3A_29 : i1 to i32
      %cond3A = arith.constant 0 : i32
      %cond3A_30 = arith.cmpi ne, %convert_element_type3A, %cond3A : i32
      scf.if %cond3A_30 {
        %mul3A_31 = arith.constant 80 : i32
        %mul3A_32 = arith.muli %add3A_28, %mul3A_31 : i32
        "tpu.region"() ({
          %run_scoped3A = tpu.sem_alloc : memref<!tpu.dma_semaphore, #tpu.memory_space<semaphore_mem>>
          %dma_start3A = arith.constant 0 : i32
          %dma_start3A_33 = arith.constant 0 : i32
          %dma_start3A_34 = tpu.memref_slice %arg8[%dma_start3A, %dma_start3A_33] : memref<125x128xf32, #tpu.memory_space<vmem>> -> memref<80x128xf32, #tpu.memory_space<vmem>>
          %dma_start3A_35 = arith.constant 0 : i32
          %dma_start3A_36 = tpu.memref_slice %arg9[%mul3A_32, %dma_start3A_35] : memref<10000x128xf32, #tpu.memory_space<vmem_shared>> -> memref<80x128xf32, #tpu.memory_space<vmem_shared>>
          %dma_start3A_37 = arith.constant 0 : i32
          %dma_start3A_38 = tpu.memref_slice %arg9[%mul3A_32, %dma_start3A_37] : memref<10000x128xf32, #tpu.memory_space<vmem_shared>> -> memref<80x128xf32, #tpu.memory_space<vmem_shared>>
          %dma_start3A_39 = arith.constant 0 : i32
          %dma_start3A_40 = arith.constant 0 : i32
          %dma_start3A_41 = tpu.memref_slice %arg8[%dma_start3A_39, %dma_start3A_40] : memref<125x128xf32, #tpu.memory_space<vmem>> -> memref<80x128xf32, #tpu.memory_space<vmem>>
          tpu.enqueue_dma source(%dma_start3A_41 : memref<80x128xf32, #tpu.memory_space<vmem>>) target(%dma_start3A_38 : memref<80x128xf32, #tpu.memory_space<vmem_shared>>) target_semaphore(%run_scoped3A : memref<!tpu.dma_semaphore, #tpu.memory_space<semaphore_mem>>)
          %dma_wait3A = arith.constant 0 : i32
          %dma_wait3A_42 = arith.constant 0 : i32
          %dma_wait3A_43 = tpu.memref_slice %arg8[%dma_wait3A, %dma_wait3A_42] : memref<125x128xf32, #tpu.memory_space<vmem>> -> memref<80x128xf32, #tpu.memory_space<vmem>>
          %dma_wait3A_44 = arith.constant 0 : i32
          %dma_wait3A_45 = tpu.memref_slice %arg9[%mul3A_32, %dma_wait3A_44] : memref<10000x128xf32, #tpu.memory_space<vmem_shared>> -> memref<80x128xf32, #tpu.memory_space<vmem_shared>>
          %dma_wait3A_46 = arith.constant 0 : i32
          %dma_wait3A_47 = tpu.memref_slice %arg9[%mul3A_32, %dma_wait3A_46] : memref<10000x128xf32, #tpu.memory_space<vmem_shared>> -> memref<80x128xf32, #tpu.memory_space<vmem_shared>>
          %dma_wait3A_48 = arith.constant 0 : i32
          %dma_wait3A_49 = arith.constant 0 : i32
          %dma_wait3A_50 = tpu.memref_slice %arg8[%dma_wait3A_48, %dma_wait3A_49] : memref<125x128xf32, #tpu.memory_space<vmem>> -> memref<80x128xf32, #tpu.memory_space<vmem>>
          tpu.wait_dma2 semaphore(%run_scoped3A : memref<!tpu.dma_semaphore, #tpu.memory_space<semaphore_mem>>) src(%dma_wait3A_50 : memref<80x128xf32, #tpu.memory_space<vmem>>) dst(%dma_wait3A_47 : memref<80x128xf32, #tpu.memory_space<vmem_shared>>)
          tpu.yield
        }) : () -> ()
      } else {
      }
    }
    %scan3A_11 = arith.constant 8 : i32
    %barrier3A = arith.constant 0 : index
    tpu.barrier barrier_id(%barrier3A)
    "tpu.region"() ({
      %run_scoped3A = tpu.sem_alloc : memref<!tpu.dma_semaphore, #tpu.memory_space<semaphore_mem>>
      %dma_start3A = arith.constant 0 : i32
      %dma_start3A_25 = arith.constant 0 : i32
      %dma_start3A_26 = tpu.memref_slice %arg3[%add3A, %dma_start3A, %dma_start3A_25] : memref<32x80x125xi32, #tpu.memory_space<hbm>> -> memref<1x80x125xi32, #tpu.memory_space<hbm>>
      %dma_start3A_27 = tpu.memref_squeeze %dma_start3A_26 : memref<1x80x125xi32, #tpu.memory_space<hbm>> -> memref<80x125xi32, #tpu.memory_space<hbm>>
      %dma_start3A_28 = arith.constant 0 : i32
      %dma_start3A_29 = arith.constant 0 : i32
      %dma_start3A_30 = tpu.memref_slice %arg3[%add3A, %dma_start3A_28, %dma_start3A_29] : memref<32x80x125xi32, #tpu.memory_space<hbm>> -> memref<1x80x125xi32, #tpu.memory_space<hbm>>
      %dma_start3A_31 = tpu.memref_squeeze %dma_start3A_30 : memref<1x80x125xi32, #tpu.memory_space<hbm>> -> memref<80x125xi32, #tpu.memory_space<hbm>>
      tpu.enqueue_dma source(%dma_start3A_31 : memref<80x125xi32, #tpu.memory_space<hbm>>) target(%arg6 : memref<80x125xi32, #tpu.memory_space<vmem>>) target_semaphore(%run_scoped3A : memref<!tpu.dma_semaphore, #tpu.memory_space<semaphore_mem>>)
      %dma_wait3A = arith.constant 0 : i32
      %dma_wait3A_32 = arith.constant 0 : i32
      %dma_wait3A_33 = tpu.memref_slice %arg3[%add3A, %dma_wait3A, %dma_wait3A_32] : memref<32x80x125xi32, #tpu.memory_space<hbm>> -> memref<1x80x125xi32, #tpu.memory_space<hbm>>
      %dma_wait3A_34 = tpu.memref_squeeze %dma_wait3A_33 : memref<1x80x125xi32, #tpu.memory_space<hbm>> -> memref<80x125xi32, #tpu.memory_space<hbm>>
      %dma_wait3A_35 = arith.constant 0 : i32
      %dma_wait3A_36 = arith.constant 0 : i32
      %dma_wait3A_37 = tpu.memref_slice %arg3[%add3A, %dma_wait3A_35, %dma_wait3A_36] : memref<32x80x125xi32, #tpu.memory_space<hbm>> -> memref<1x80x125xi32, #tpu.memory_space<hbm>>
      %dma_wait3A_38 = tpu.memref_squeeze %dma_wait3A_37 : memref<1x80x125xi32, #tpu.memory_space<hbm>> -> memref<80x125xi32, #tpu.memory_space<hbm>>
      tpu.wait_dma2 semaphore(%run_scoped3A : memref<!tpu.dma_semaphore, #tpu.memory_space<semaphore_mem>>) src(%dma_wait3A_38 : memref<80x125xi32, #tpu.memory_space<hbm>>) dst(%arg6 : memref<80x125xi32, #tpu.memory_space<vmem>>)
      tpu.yield
    }) : () -> ()
    "tpu.region"() ({
      %run_scoped3A = tpu.sem_alloc : memref<!tpu.dma_semaphore, #tpu.memory_space<semaphore_mem>>
      %dma_start3A = arith.constant 0 : i32
      %dma_start3A_25 = arith.constant 0 : i32
      %dma_start3A_26 = tpu.memref_slice %arg4[%add3A, %dma_start3A, %dma_start3A_25] : memref<32x80x125xi32, #tpu.memory_space<hbm>> -> memref<1x80x125xi32, #tpu.memory_space<hbm>>
      %dma_start3A_27 = tpu.memref_squeeze %dma_start3A_26 : memref<1x80x125xi32, #tpu.memory_space<hbm>> -> memref<80x125xi32, #tpu.memory_space<hbm>>
      %dma_start3A_28 = arith.constant 0 : i32
      %dma_start3A_29 = arith.constant 0 : i32
      %dma_start3A_30 = tpu.memref_slice %arg4[%add3A, %dma_start3A_28, %dma_start3A_29] : memref<32x80x125xi32, #tpu.memory_space<hbm>> -> memref<1x80x125xi32, #tpu.memory_space<hbm>>
      %dma_start3A_31 = tpu.memref_squeeze %dma_start3A_30 : memref<1x80x125xi32, #tpu.memory_space<hbm>> -> memref<80x125xi32, #tpu.memory_space<hbm>>
      tpu.enqueue_dma source(%dma_start3A_31 : memref<80x125xi32, #tpu.memory_space<hbm>>) target(%arg7 : memref<80x125xi32, #tpu.memory_space<vmem>>) target_semaphore(%run_scoped3A : memref<!tpu.dma_semaphore, #tpu.memory_space<semaphore_mem>>)
      %dma_wait3A = arith.constant 0 : i32
      %dma_wait3A_32 = arith.constant 0 : i32
      %dma_wait3A_33 = tpu.memref_slice %arg4[%add3A, %dma_wait3A, %dma_wait3A_32] : memref<32x80x125xi32, #tpu.memory_space<hbm>> -> memref<1x80x125xi32, #tpu.memory_space<hbm>>
      %dma_wait3A_34 = tpu.memref_squeeze %dma_wait3A_33 : memref<1x80x125xi32, #tpu.memory_space<hbm>> -> memref<80x125xi32, #tpu.memory_space<hbm>>
      %dma_wait3A_35 = arith.constant 0 : i32
      %dma_wait3A_36 = arith.constant 0 : i32
      %dma_wait3A_37 = tpu.memref_slice %arg4[%add3A, %dma_wait3A_35, %dma_wait3A_36] : memref<32x80x125xi32, #tpu.memory_space<hbm>> -> memref<1x80x125xi32, #tpu.memory_space<hbm>>
      %dma_wait3A_38 = tpu.memref_squeeze %dma_wait3A_37 : memref<1x80x125xi32, #tpu.memory_space<hbm>> -> memref<80x125xi32, #tpu.memory_space<hbm>>
      tpu.wait_dma2 semaphore(%run_scoped3A : memref<!tpu.dma_semaphore, #tpu.memory_space<semaphore_mem>>) src(%dma_wait3A_38 : memref<80x125xi32, #tpu.memory_space<hbm>>) dst(%arg7 : memref<80x125xi32, #tpu.memory_space<vmem>>)
      tpu.yield
    }) : () -> ()
    %scan3A_12 = arith.constant 0 : i32
    %scan3A_13 = arith.constant 0 : i32
    %scan3A_14 = arith.constant 80 : i32
    %scan3A_15 = arith.addi %scan3A_13, %scan3A_14 : i32
    %scan3A_16 = arith.constant 1 : i32
    scf.for %scan3A_25 = %scan3A_13 to %scan3A_15 step %scan3A_16  : i32 {
      %dma_start3A = arith.constant 0 : i32
      %dma_start3A_26 = tpu.memref_slice %arg6[%scan3A_25, %dma_start3A] : memref<80x125xi32, #tpu.memory_space<vmem>> -> memref<1x125xi32, #tpu.memory_space<vmem>>
      %dma_start3A_27 = tpu.memref_squeeze %dma_start3A_26 : memref<1x125xi32, #tpu.memory_space<vmem>> -> memref<125xi32, #tpu.memory_space<vmem>>
      %dma_start3A_28 = arith.constant 0 : i32
      %dma_start3A_29 = arith.constant 0 : i32
      %dma_start3A_30 = tpu.memref_slice %arg2[%dma_start3A_28, %dma_start3A_29] : memref<10000x128xf32, #tpu.memory_space<hbm>> -> memref<10000x128xf32, #tpu.memory_space<hbm>>
      tpu.enqueue_indirect_dma source(%dma_start3A_30 : memref<10000x128xf32, #tpu.memory_space<hbm>>) target(%arg8 : memref<125x128xf32, #tpu.memory_space<vmem>>) offsets(%dma_start3A_27 : memref<125xi32, #tpu.memory_space<vmem>>) semaphore(%arg10 : memref<!tpu.dma_semaphore, #tpu.memory_space<semaphore_mem>>)
      %dma_wait3A = arith.constant 0 : i32
      %dma_wait3A_31 = tpu.memref_slice %arg6[%scan3A_25, %dma_wait3A] : memref<80x125xi32, #tpu.memory_space<vmem>> -> memref<1x125xi32, #tpu.memory_space<vmem>>
      %dma_wait3A_32 = tpu.memref_squeeze %dma_wait3A_31 : memref<1x125xi32, #tpu.memory_space<vmem>> -> memref<125xi32, #tpu.memory_space<vmem>>
      %dma_wait3A_33 = arith.constant 0 : i32
      %dma_wait3A_34 = arith.constant 0 : i32
      %dma_wait3A_35 = tpu.memref_slice %arg2[%dma_wait3A_33, %dma_wait3A_34] : memref<10000x128xf32, #tpu.memory_space<hbm>> -> memref<10000x128xf32, #tpu.memory_space<hbm>>
      tpu.wait_indirect_dma semaphore(%arg10 : memref<!tpu.dma_semaphore, #tpu.memory_space<semaphore_mem>>) src(%dma_wait3A_35 : memref<10000x128xf32, #tpu.memory_space<hbm>>) dst(%arg8 : memref<125x128xf32, #tpu.memory_space<vmem>>)
      "tpu.region"() ({
        %run_scoped3A = tpu.sem_alloc : memref<!tpu.dma_semaphore, #tpu.memory_space<semaphore_mem>>
        %dma_start3A_36 = arith.constant 0 : i32
        %dma_start3A_37 = tpu.memref_slice %arg7[%scan3A_25, %dma_start3A_36] : memref<80x125xi32, #tpu.memory_space<vmem>> -> memref<1x125xi32, #tpu.memory_space<vmem>>
        %dma_start3A_38 = tpu.memref_squeeze %dma_start3A_37 : memref<1x125xi32, #tpu.memory_space<vmem>> -> memref<125xi32, #tpu.memory_space<vmem>>
        %dma_start3A_39 = arith.constant 0 : i32
        %dma_start3A_40 = arith.constant 0 : i32
        %dma_start3A_41 = tpu.memref_slice %arg9[%dma_start3A_39, %dma_start3A_40] : memref<10000x128xf32, #tpu.memory_space<vmem_shared>> -> memref<10000x128xf32, #tpu.memory_space<vmem_shared>>
        tpu.enqueue_indirect_dma source(%arg8 : memref<125x128xf32, #tpu.memory_space<vmem>>) target(%dma_start3A_41 : memref<10000x128xf32, #tpu.memory_space<vmem_shared>>) offsets(%dma_start3A_38 : memref<125xi32, #tpu.memory_space<vmem>>) semaphore(%run_scoped3A : memref<!tpu.dma_semaphore, #tpu.memory_space<semaphore_mem>>) {add = true}
        %dma_wait3A_42 = arith.constant 0 : i32
        %dma_wait3A_43 = tpu.memref_slice %arg7[%scan3A_25, %dma_wait3A_42] : memref<80x125xi32, #tpu.memory_space<vmem>> -> memref<1x125xi32, #tpu.memory_space<vmem>>
        %dma_wait3A_44 = tpu.memref_squeeze %dma_wait3A_43 : memref<1x125xi32, #tpu.memory_space<vmem>> -> memref<125xi32, #tpu.memory_space<vmem>>
        %dma_wait3A_45 = arith.constant 0 : i32
        %dma_wait3A_46 = arith.constant 0 : i32
        %dma_wait3A_47 = tpu.memref_slice %arg9[%dma_wait3A_45, %dma_wait3A_46] : memref<10000x128xf32, #tpu.memory_space<vmem_shared>> -> memref<10000x128xf32, #tpu.memory_space<vmem_shared>>
        tpu.wait_indirect_dma semaphore(%run_scoped3A : memref<!tpu.dma_semaphore, #tpu.memory_space<semaphore_mem>>) src(%arg8 : memref<125x128xf32, #tpu.memory_space<vmem>>) dst(%dma_wait3A_47 : memref<10000x128xf32, #tpu.memory_space<vmem_shared>>)
        tpu.yield
      }) : () -> ()
    }
    %scan3A_17 = arith.constant 80 : i32
    %barrier3A_18 = arith.constant 0 : index
    tpu.barrier barrier_id(%barrier3A_18)
    %scan3A_19 = arith.constant 0 : i32
    %scan3A_20 = arith.constant 0 : i32
    %scan3A_21 = arith.constant 8 : i32
    %scan3A_22 = arith.addi %scan3A_20, %scan3A_21 : i32
    %scan3A_23 = arith.constant 1 : i32
    scf.for %scan3A_25 = %scan3A_20 to %scan3A_22 step %scan3A_23  : i32 {
      %mul3A_26 = arith.constant 16 : i32
      %mul3A_27 = arith.muli %scan3A_25, %mul3A_26 : i32
      %add3A_28 = arith.addi %mul3A_27, %arg1 : i32
      %lt3A = arith.constant 125 : i32
      %lt3A_29 = arith.cmpi slt, %add3A_28, %lt3A : i32
      %convert_element_type3A = arith.extui %lt3A_29 : i1 to i32
      %cond3A = arith.constant 0 : i32
      %cond3A_30 = arith.cmpi ne, %convert_element_type3A, %cond3A : i32
      scf.if %cond3A_30 {
        %mul3A_31 = arith.constant 80 : i32
        %mul3A_32 = arith.muli %add3A_28, %mul3A_31 : i32
        "tpu.region"() ({
          %run_scoped3A = tpu.sem_alloc : memref<!tpu.dma_semaphore, #tpu.memory_space<semaphore_mem>>
          %dma_start3A = arith.constant 0 : i32
          %dma_start3A_33 = tpu.memref_slice %arg5[%arg0, %mul3A_32, %dma_start3A] : memref<2x10000x128xf32, #tpu.memory_space<hbm>> -> memref<1x80x128xf32, #tpu.memory_space<hbm>>
          %dma_start3A_34 = tpu.memref_squeeze %dma_start3A_33 : memref<1x80x128xf32, #tpu.memory_space<hbm>> -> memref<80x128xf32, #tpu.memory_space<hbm>>
          %dma_start3A_35 = arith.constant 0 : i32
          %dma_start3A_36 = tpu.memref_slice %arg9[%mul3A_32, %dma_start3A_35] : memref<10000x128xf32, #tpu.memory_space<vmem_shared>> -> memref<80x128xf32, #tpu.memory_space<vmem_shared>>
          tpu.enqueue_dma source(%dma_start3A_36 : memref<80x128xf32, #tpu.memory_space<vmem_shared>>) target(%dma_start3A_34 : memref<80x128xf32, #tpu.memory_space<hbm>>) target_semaphore(%run_scoped3A : memref<!tpu.dma_semaphore, #tpu.memory_space<semaphore_mem>>)
          %dma_wait3A = arith.constant 0 : i32
          %dma_wait3A_37 = tpu.memref_slice %arg5[%arg0, %mul3A_32, %dma_wait3A] : memref<2x10000x128xf32, #tpu.memory_space<hbm>> -> memref<1x80x128xf32, #tpu.memory_space<hbm>>
          %dma_wait3A_38 = tpu.memref_squeeze %dma_wait3A_37 : memref<1x80x128xf32, #tpu.memory_space<hbm>> -> memref<80x128xf32, #tpu.memory_space<hbm>>
          %dma_wait3A_39 = arith.constant 0 : i32
          %dma_wait3A_40 = tpu.memref_slice %arg9[%mul3A_32, %dma_wait3A_39] : memref<10000x128xf32, #tpu.memory_space<vmem_shared>> -> memref<80x128xf32, #tpu.memory_space<vmem_shared>>
          tpu.wait_dma2 semaphore(%run_scoped3A : memref<!tpu.dma_semaphore, #tpu.memory_space<semaphore_mem>>) src(%dma_wait3A_40 : memref<80x128xf32, #tpu.memory_space<vmem_shared>>) dst(%dma_wait3A_38 : memref<80x128xf32, #tpu.memory_space<hbm>>)
          tpu.yield
        }) : () -> ()
      } else {
      }
    }
    %scan3A_24 = arith.constant 8 : i32
    return
  }
}

#map = affine_map<(d0, d1) -> (0, 0)>
#map1 = affine_map<(d0, d1) -> (0, 0, 0)>
module attributes {stable_mosaic.version = 14 : i64} {
  func.func @_seg_body(%arg0: i32, %arg1: i32, %arg2: memref<10000x128xf32, #tpu.memory_space<hbm>>, %arg3: memref<32x80x125xi32, #tpu.memory_space<hbm>>, %arg4: memref<32x80x125xi32, #tpu.memory_space<hbm>>, %arg5: memref<2x10000x128xf32, #tpu.memory_space<hbm>>, %arg6: memref<80x125xi32, #tpu.memory_space<vmem>>, %arg7: memref<80x125xi32, #tpu.memory_space<vmem>>, %arg8: memref<125x128xf32, #tpu.memory_space<vmem>>, %arg9: memref<10000x128xf32, #tpu.memory_space<vmem_shared>>, %arg10: memref<!tpu.dma_semaphore, #tpu.memory_space<semaphore_mem>>) attributes {dimension_semantics = [#tpu.dimension_semantics<core_parallel>, #tpu.dimension_semantics<subcore_parallel>], iteration_bounds = array<i64: 2, 16>, scalar_prefetch = 0 : i64, scratch_operands = 5 : i64, tpu.core_type = #tpu.core_type<sc_vector_subcore>, window_params = [{transform_indices = #map}, {transform_indices = #map1}, {transform_indices = #map1}, {transform_indices = #map1}]} {
    %mul3A = arith.constant 2 : i32
    %mul3A_0 = arith.muli %arg1, %mul3A : i32
    %add3A = arith.addi %mul3A_0, %arg0 : i32
    %scan3A = arith.constant 0 : i32
    %scan3A_1 = arith.constant 0 : i32
    %scan3A_2 = arith.constant 80 : i32
    %scan3A_3 = arith.addi %scan3A_1, %scan3A_2 : i32
    %scan3A_4 = arith.constant 1 : i32
    scf.for %scan3A_25 = %scan3A_1 to %scan3A_3 step %scan3A_4  : i32 {
      %scan3A_26 = arith.constant 0 : i32
      %scan3A_27 = arith.constant 0 : i32
      %scan3A_28 = arith.constant 8 : i32
      %scan3A_29 = arith.addi %scan3A_27, %scan3A_28 : i32
      %scan3A_30 = arith.constant 1 : i32
      scf.for %scan3A_32 = %scan3A_27 to %scan3A_29 step %scan3A_30  : i32 {
        %broadcast_in_dim3A = arith.constant 0.000000e+00 : f32
        %broadcast_in_dim3A_33 = vector.broadcast %broadcast_in_dim3A : f32 to vector<16xf32>
        %mul3A_34 = arith.constant 16 : i32
        %mul3A_35 = arith.muli %scan3A_32, %mul3A_34 : i32
        %swap3A = arith.index_cast %scan3A_25 : i32 to index
        %swap3A_36 = arith.index_cast %mul3A_35 : i32 to index
        %swap3A_37 = tpu.vector_load %arg8[%swap3A, %swap3A_36] {strides = array<i32>} : memref<125x128xf32, #tpu.memory_space<vmem>>, vector<1x16xf32>,
        %swap3A_38 = vector.shape_cast %swap3A_37 : vector<1x16xf32> to vector<16xf32>
        %swap3A_39 = vector.shape_cast %broadcast_in_dim3A_33 : vector<16xf32> to vector<1x16xf32>
        tpu.vector_store %arg8[%swap3A, %swap3A_36], %swap3A_39 {strides = array<i32>} : memref<125x128xf32, #tpu.memory_space<vmem>>, vector<1x16xf32>,
      }
      %scan3A_31 = arith.constant 8 : i32
    }
    %scan3A_5 = arith.constant 80 : i32
    %scan3A_6 = arith.constant 0 : i32
    %scan3A_7 = arith.constant 0 : i32
    %scan3A_8 = arith.constant 8 : i32
    %scan3A_9 = arith.addi %scan3A_7, %scan3A_8 : i32
    %scan3A_10 = arith.constant 1 : i32
    scf.for %scan3A_25 = %scan3A_7 to %scan3A_9 step %scan3A_10  : i32 {
      %mul3A_26 = arith.constant 16 : i32
      %mul3A_27 = arith.muli %scan3A_25, %mul3A_26 : i32
      %add3A_28 = arith.addi %mul3A_27, %arg1 : i32
      %lt3A = arith.constant 125 : i32
      %lt3A_29 = arith.cmpi slt, %add3A_28, %lt3A : i32
      %convert_element_type3A = arith.extui %lt3A_29 : i1 to i32
      %cond3A = arith.constant 0 : i32
      %cond3A_30 = arith.cmpi ne, %convert_element_type3A, %cond3A : i32
      scf.if %cond3A_30 {
        %mul3A_31 = arith.constant 80 : i32
        %mul3A_32 = arith.muli %add3A_28, %mul3A_31 : i32
        "tpu.region"() ({
          %run_scoped3A = tpu.sem_alloc : memref<!tpu.dma_semaphore, #tpu.memory_space<semaphore_mem>>
          %dma_start3A = arith.constant 0 : i32
          %dma_start3A_33 = arith.constant 0 : i32
          %dma_start3A_34 = tpu.memref_slice %arg8[%dma_start3A, %dma_start3A_33] : memref<125x128xf32, #tpu.memory_space<vmem>> -> memref<80x128xf32, #tpu.memory_space<vmem>>
          %dma_start3A_35 = arith.constant 0 : i32
          %dma_start3A_36 = tpu.memref_slice %arg9[%mul3A_32, %dma_start3A_35] : memref<10000x128xf32, #tpu.memory_space<vmem_shared>> -> memref<80x128xf32, #tpu.memory_space<vmem_shared>>
          %dma_start3A_37 = arith.constant 0 : i32
          %dma_start3A_38 = tpu.memref_slice %arg9[%mul3A_32, %dma_start3A_37] : memref<10000x128xf32, #tpu.memory_space<vmem_shared>> -> memref<80x128xf32, #tpu.memory_space<vmem_shared>>
          %dma_start3A_39 = arith.constant 0 : i32
          %dma_start3A_40 = arith.constant 0 : i32
          %dma_start3A_41 = tpu.memref_slice %arg8[%dma_start3A_39, %dma_start3A_40] : memref<125x128xf32, #tpu.memory_space<vmem>> -> memref<80x128xf32, #tpu.memory_space<vmem>>
          tpu.enqueue_dma source(%dma_start3A_41 : memref<80x128xf32, #tpu.memory_space<vmem>>) target(%dma_start3A_38 : memref<80x128xf32, #tpu.memory_space<vmem_shared>>) target_semaphore(%run_scoped3A : memref<!tpu.dma_semaphore, #tpu.memory_space<semaphore_mem>>)
          %dma_wait3A = arith.constant 0 : i32
          %dma_wait3A_42 = arith.constant 0 : i32
          %dma_wait3A_43 = tpu.memref_slice %arg8[%dma_wait3A, %dma_wait3A_42] : memref<125x128xf32, #tpu.memory_space<vmem>> -> memref<80x128xf32, #tpu.memory_space<vmem>>
          %dma_wait3A_44 = arith.constant 0 : i32
          %dma_wait3A_45 = tpu.memref_slice %arg9[%mul3A_32, %dma_wait3A_44] : memref<10000x128xf32, #tpu.memory_space<vmem_shared>> -> memref<80x128xf32, #tpu.memory_space<vmem_shared>>
          %dma_wait3A_46 = arith.constant 0 : i32
          %dma_wait3A_47 = tpu.memref_slice %arg9[%mul3A_32, %dma_wait3A_46] : memref<10000x128xf32, #tpu.memory_space<vmem_shared>> -> memref<80x128xf32, #tpu.memory_space<vmem_shared>>
          %dma_wait3A_48 = arith.constant 0 : i32
          %dma_wait3A_49 = arith.constant 0 : i32
          %dma_wait3A_50 = tpu.memref_slice %arg8[%dma_wait3A_48, %dma_wait3A_49] : memref<125x128xf32, #tpu.memory_space<vmem>> -> memref<80x128xf32, #tpu.memory_space<vmem>>
          tpu.wait_dma2 semaphore(%run_scoped3A : memref<!tpu.dma_semaphore, #tpu.memory_space<semaphore_mem>>) src(%dma_wait3A_50 : memref<80x128xf32, #tpu.memory_space<vmem>>) dst(%dma_wait3A_47 : memref<80x128xf32, #tpu.memory_space<vmem_shared>>)
          tpu.yield
        }) : () -> ()
      } else {
      }
    }
    %scan3A_11 = arith.constant 8 : i32
    %barrier3A = arith.constant 0 : index
    tpu.barrier barrier_id(%barrier3A)
    "tpu.region"() ({
      %run_scoped3A = tpu.sem_alloc : memref<!tpu.dma_semaphore, #tpu.memory_space<semaphore_mem>>
      %dma_start3A = arith.constant 0 : i32
      %dma_start3A_25 = arith.constant 0 : i32
      %dma_start3A_26 = tpu.memref_slice %arg3[%add3A, %dma_start3A, %dma_start3A_25] : memref<32x80x125xi32, #tpu.memory_space<hbm>> -> memref<1x80x125xi32, #tpu.memory_space<hbm>>
      %dma_start3A_27 = tpu.memref_squeeze %dma_start3A_26 : memref<1x80x125xi32, #tpu.memory_space<hbm>> -> memref<80x125xi32, #tpu.memory_space<hbm>>
      %dma_start3A_28 = arith.constant 0 : i32
      %dma_start3A_29 = arith.constant 0 : i32
      %dma_start3A_30 = tpu.memref_slice %arg3[%add3A, %dma_start3A_28, %dma_start3A_29] : memref<32x80x125xi32, #tpu.memory_space<hbm>> -> memref<1x80x125xi32, #tpu.memory_space<hbm>>
      %dma_start3A_31 = tpu.memref_squeeze %dma_start3A_30 : memref<1x80x125xi32, #tpu.memory_space<hbm>> -> memref<80x125xi32, #tpu.memory_space<hbm>>
      tpu.enqueue_dma source(%dma_start3A_31 : memref<80x125xi32, #tpu.memory_space<hbm>>) target(%arg6 : memref<80x125xi32, #tpu.memory_space<vmem>>) target_semaphore(%run_scoped3A : memref<!tpu.dma_semaphore, #tpu.memory_space<semaphore_mem>>)
      %dma_wait3A = arith.constant 0 : i32
      %dma_wait3A_32 = arith.constant 0 : i32
      %dma_wait3A_33 = tpu.memref_slice %arg3[%add3A, %dma_wait3A, %dma_wait3A_32] : memref<32x80x125xi32, #tpu.memory_space<hbm>> -> memref<1x80x125xi32, #tpu.memory_space<hbm>>
      %dma_wait3A_34 = tpu.memref_squeeze %dma_wait3A_33 : memref<1x80x125xi32, #tpu.memory_space<hbm>> -> memref<80x125xi32, #tpu.memory_space<hbm>>
      %dma_wait3A_35 = arith.constant 0 : i32
      %dma_wait3A_36 = arith.constant 0 : i32
      %dma_wait3A_37 = tpu.memref_slice %arg3[%add3A, %dma_wait3A_35, %dma_wait3A_36] : memref<32x80x125xi32, #tpu.memory_space<hbm>> -> memref<1x80x125xi32, #tpu.memory_space<hbm>>
      %dma_wait3A_38 = tpu.memref_squeeze %dma_wait3A_37 : memref<1x80x125xi32, #tpu.memory_space<hbm>> -> memref<80x125xi32, #tpu.memory_space<hbm>>
      tpu.wait_dma2 semaphore(%run_scoped3A : memref<!tpu.dma_semaphore, #tpu.memory_space<semaphore_mem>>) src(%dma_wait3A_38 : memref<80x125xi32, #tpu.memory_space<hbm>>) dst(%arg6 : memref<80x125xi32, #tpu.memory_space<vmem>>)
      tpu.yield
    }) : () -> ()
    "tpu.region"() ({
      %run_scoped3A = tpu.sem_alloc : memref<!tpu.dma_semaphore, #tpu.memory_space<semaphore_mem>>
      %dma_start3A = arith.constant 0 : i32
      %dma_start3A_25 = arith.constant 0 : i32
      %dma_start3A_26 = tpu.memref_slice %arg4[%add3A, %dma_start3A, %dma_start3A_25] : memref<32x80x125xi32, #tpu.memory_space<hbm>> -> memref<1x80x125xi32, #tpu.memory_space<hbm>>
      %dma_start3A_27 = tpu.memref_squeeze %dma_start3A_26 : memref<1x80x125xi32, #tpu.memory_space<hbm>> -> memref<80x125xi32, #tpu.memory_space<hbm>>
      %dma_start3A_28 = arith.constant 0 : i32
      %dma_start3A_29 = arith.constant 0 : i32
      %dma_start3A_30 = tpu.memref_slice %arg4[%add3A, %dma_start3A_28, %dma_start3A_29] : memref<32x80x125xi32, #tpu.memory_space<hbm>> -> memref<1x80x125xi32, #tpu.memory_space<hbm>>
      %dma_start3A_31 = tpu.memref_squeeze %dma_start3A_30 : memref<1x80x125xi32, #tpu.memory_space<hbm>> -> memref<80x125xi32, #tpu.memory_space<hbm>>
      tpu.enqueue_dma source(%dma_start3A_31 : memref<80x125xi32, #tpu.memory_space<hbm>>) target(%arg7 : memref<80x125xi32, #tpu.memory_space<vmem>>) target_semaphore(%run_scoped3A : memref<!tpu.dma_semaphore, #tpu.memory_space<semaphore_mem>>)
      %dma_wait3A = arith.constant 0 : i32
      %dma_wait3A_32 = arith.constant 0 : i32
      %dma_wait3A_33 = tpu.memref_slice %arg4[%add3A, %dma_wait3A, %dma_wait3A_32] : memref<32x80x125xi32, #tpu.memory_space<hbm>> -> memref<1x80x125xi32, #tpu.memory_space<hbm>>
      %dma_wait3A_34 = tpu.memref_squeeze %dma_wait3A_33 : memref<1x80x125xi32, #tpu.memory_space<hbm>> -> memref<80x125xi32, #tpu.memory_space<hbm>>
      %dma_wait3A_35 = arith.constant 0 : i32
      %dma_wait3A_36 = arith.constant 0 : i32
      %dma_wait3A_37 = tpu.memref_slice %arg4[%add3A, %dma_wait3A_35, %dma_wait3A_36] : memref<32x80x125xi32, #tpu.memory_space<hbm>> -> memref<1x80x125xi32, #tpu.memory_space<hbm>>
      %dma_wait3A_38 = tpu.memref_squeeze %dma_wait3A_37 : memref<1x80x125xi32, #tpu.memory_space<hbm>> -> memref<80x125xi32, #tpu.memory_space<hbm>>
      tpu.wait_dma2 semaphore(%run_scoped3A : memref<!tpu.dma_semaphore, #tpu.memory_space<semaphore_mem>>) src(%dma_wait3A_38 : memref<80x125xi32, #tpu.memory_space<hbm>>) dst(%arg7 : memref<80x125xi32, #tpu.memory_space<vmem>>)
      tpu.yield
    }) : () -> ()
    %scan3A_12 = arith.constant 0 : i32
    %scan3A_13 = arith.constant 0 : i32
    %scan3A_14 = arith.constant 80 : i32
    %scan3A_15 = arith.addi %scan3A_13, %scan3A_14 : i32
    %scan3A_16 = arith.constant 1 : i32
    scf.for %scan3A_25 = %scan3A_13 to %scan3A_15 step %scan3A_16  : i32 {
      %dma_start3A = arith.constant 0 : i32
      %dma_start3A_26 = tpu.memref_slice %arg6[%scan3A_25, %dma_start3A] : memref<80x125xi32, #tpu.memory_space<vmem>> -> memref<1x125xi32, #tpu.memory_space<vmem>>
      %dma_start3A_27 = tpu.memref_squeeze %dma_start3A_26 : memref<1x125xi32, #tpu.memory_space<vmem>> -> memref<125xi32, #tpu.memory_space<vmem>>
      %dma_start3A_28 = arith.constant 0 : i32
      %dma_start3A_29 = arith.constant 0 : i32
      %dma_start3A_30 = tpu.memref_slice %arg2[%dma_start3A_28, %dma_start3A_29] : memref<10000x128xf32, #tpu.memory_space<hbm>> -> memref<10000x128xf32, #tpu.memory_space<hbm>>
      tpu.enqueue_indirect_dma source(%dma_start3A_30 : memref<10000x128xf32, #tpu.memory_space<hbm>>) target(%arg8 : memref<125x128xf32, #tpu.memory_space<vmem>>) offsets(%dma_start3A_27 : memref<125xi32, #tpu.memory_space<vmem>>) semaphore(%arg10 : memref<!tpu.dma_semaphore, #tpu.memory_space<semaphore_mem>>)
      %dma_wait3A = arith.constant 0 : i32
      %dma_wait3A_31 = tpu.memref_slice %arg6[%scan3A_25, %dma_wait3A] : memref<80x125xi32, #tpu.memory_space<vmem>> -> memref<1x125xi32, #tpu.memory_space<vmem>>
      %dma_wait3A_32 = tpu.memref_squeeze %dma_wait3A_31 : memref<1x125xi32, #tpu.memory_space<vmem>> -> memref<125xi32, #tpu.memory_space<vmem>>
      %dma_wait3A_33 = arith.constant 0 : i32
      %dma_wait3A_34 = arith.constant 0 : i32
      %dma_wait3A_35 = tpu.memref_slice %arg2[%dma_wait3A_33, %dma_wait3A_34] : memref<10000x128xf32, #tpu.memory_space<hbm>> -> memref<10000x128xf32, #tpu.memory_space<hbm>>
      tpu.wait_indirect_dma semaphore(%arg10 : memref<!tpu.dma_semaphore, #tpu.memory_space<semaphore_mem>>) src(%dma_wait3A_35 : memref<10000x128xf32, #tpu.memory_space<hbm>>) dst(%arg8 : memref<125x128xf32, #tpu.memory_space<vmem>>)
      "tpu.region"() ({
        %run_scoped3A = tpu.sem_alloc : memref<!tpu.dma_semaphore, #tpu.memory_space<semaphore_mem>>
        %dma_start3A_36 = arith.constant 0 : i32
        %dma_start3A_37 = tpu.memref_slice %arg7[%scan3A_25, %dma_start3A_36] : memref<80x125xi32, #tpu.memory_space<vmem>> -> memref<1x125xi32, #tpu.memory_space<vmem>>
        %dma_start3A_38 = tpu.memref_squeeze %dma_start3A_37 : memref<1x125xi32, #tpu.memory_space<vmem>> -> memref<125xi32, #tpu.memory_space<vmem>>
        %dma_start3A_39 = arith.constant 0 : i32
        %dma_start3A_40 = arith.constant 0 : i32
        %dma_start3A_41 = tpu.memref_slice %arg9[%dma_start3A_39, %dma_start3A_40] : memref<10000x128xf32, #tpu.memory_space<vmem_shared>> -> memref<10000x128xf32, #tpu.memory_space<vmem_shared>>
        tpu.enqueue_indirect_dma source(%arg8 : memref<125x128xf32, #tpu.memory_space<vmem>>) target(%dma_start3A_41 : memref<10000x128xf32, #tpu.memory_space<vmem_shared>>) offsets(%dma_start3A_38 : memref<125xi32, #tpu.memory_space<vmem>>) semaphore(%run_scoped3A : memref<!tpu.dma_semaphore, #tpu.memory_space<semaphore_mem>>) {add = true}
        %dma_wait3A_42 = arith.constant 0 : i32
        %dma_wait3A_43 = tpu.memref_slice %arg7[%scan3A_25, %dma_wait3A_42] : memref<80x125xi32, #tpu.memory_space<vmem>> -> memref<1x125xi32, #tpu.memory_space<vmem>>
        %dma_wait3A_44 = tpu.memref_squeeze %dma_wait3A_43 : memref<1x125xi32, #tpu.memory_space<vmem>> -> memref<125xi32, #tpu.memory_space<vmem>>
        %dma_wait3A_45 = arith.constant 0 : i32
        %dma_wait3A_46 = arith.constant 0 : i32
        %dma_wait3A_47 = tpu.memref_slice %arg9[%dma_wait3A_45, %dma_wait3A_46] : memref<10000x128xf32, #tpu.memory_space<vmem_shared>> -> memref<10000x128xf32, #tpu.memory_space<vmem_shared>>
        tpu.wait_indirect_dma semaphore(%run_scoped3A : memref<!tpu.dma_semaphore, #tpu.memory_space<semaphore_mem>>) src(%arg8 : memref<125x128xf32, #tpu.memory_space<vmem>>) dst(%dma_wait3A_47 : memref<10000x128xf32, #tpu.memory_space<vmem_shared>>)
        tpu.yield
      }) : () -> ()
    }
    %scan3A_17 = arith.constant 80 : i32
    %barrier3A_18 = arith.constant 0 : index
    tpu.barrier barrier_id(%barrier3A_18)
    %scan3A_19 = arith.constant 0 : i32
    %scan3A_20 = arith.constant 0 : i32
    %scan3A_21 = arith.constant 8 : i32
    %scan3A_22 = arith.addi %scan3A_20, %scan3A_21 : i32
    %scan3A_23 = arith.constant 1 : i32
    scf.for %scan3A_25 = %scan3A_20 to %scan3A_22 step %scan3A_23  : i32 {
      %mul3A_26 = arith.constant 16 : i32
      %mul3A_27 = arith.muli %scan3A_25, %mul3A_26 : i32
      %add3A_28 = arith.addi %mul3A_27, %arg1 : i32
      %lt3A = arith.constant 125 : i32
      %lt3A_29 = arith.cmpi slt, %add3A_28, %lt3A : i32
      %convert_element_type3A = arith.extui %lt3A_29 : i1 to i32
      %cond3A = arith.constant 0 : i32
      %cond3A_30 = arith.cmpi ne, %convert_element_type3A, %cond3A : i32
      scf.if %cond3A_30 {
        %mul3A_31 = arith.constant 80 : i32
        %mul3A_32 = arith.muli %add3A_28, %mul3A_31 : i32
        "tpu.region"() ({
          %run_scoped3A = tpu.sem_alloc : memref<!tpu.dma_semaphore, #tpu.memory_space<semaphore_mem>>
          %dma_start3A = arith.constant 0 : i32
          %dma_start3A_33 = tpu.memref_slice %arg5[%arg0, %mul3A_32, %dma_start3A] : memref<2x10000x128xf32, #tpu.memory_space<hbm>> -> memref<1x80x128xf32, #tpu.memory_space<hbm>>
          %dma_start3A_34 = tpu.memref_squeeze %dma_start3A_33 : memref<1x80x128xf32, #tpu.memory_space<hbm>> -> memref<80x128xf32, #tpu.memory_space<hbm>>
          %dma_start3A_35 = arith.constant 0 : i32
          %dma_start3A_36 = tpu.memref_slice %arg9[%mul3A_32, %dma_start3A_35] : memref<10000x128xf32, #tpu.memory_space<vmem_shared>> -> memref<80x128xf32, #tpu.memory_space<vmem_shared>>
          tpu.enqueue_dma source(%dma_start3A_36 : memref<80x128xf32, #tpu.memory_space<vmem_shared>>) target(%dma_start3A_34 : memref<80x128xf32, #tpu.memory_space<hbm>>) target_semaphore(%run_scoped3A : memref<!tpu.dma_semaphore, #tpu.memory_space<semaphore_mem>>)
          %dma_wait3A = arith.constant 0 : i32
          %dma_wait3A_37 = tpu.memref_slice %arg5[%arg0, %mul3A_32, %dma_wait3A] : memref<2x10000x128xf32, #tpu.memory_space<hbm>> -> memref<1x80x128xf32, #tpu.memory_space<hbm>>
          %dma_wait3A_38 = tpu.memref_squeeze %dma_wait3A_37 : memref<1x80x128xf32, #tpu.memory_space<hbm>> -> memref<80x128xf32, #tpu.memory_space<hbm>>
          %dma_wait3A_39 = arith.constant 0 : i32
          %dma_wait3A_40 = tpu.memref_slice %arg9[%mul3A_32, %dma_wait3A_39] : memref<10000x128xf32, #tpu.memory_space<vmem_shared>> -> memref<80x128xf32, #tpu.memory_space<vmem_shared>>
          tpu.wait_dma2 semaphore(%run_scoped3A : memref<!tpu.dma_semaphore, #tpu.memory_space<semaphore_mem>>) src(%dma_wait3A_40 : memref<80x128xf32, #tpu.memory_space<vmem_shared>>) dst(%dma_wait3A_38 : memref<80x128xf32, #tpu.memory_space<hbm>>)
          tpu.yield
        }) : () -> ()
      } else {
      }
    }
    %scan3A_24 = arith.constant 8 : i32
    return
  }
}

module attributes {stable_mosaic.version = 14 : i64} {
  func.func @_tc_in_body(%arg0: i32, %arg1: memref<2000x128xf32, #tpu.memory_space<vmem>>, %arg2: memref<2x2000x128xf32, #tpu.memory_space<vmem>>, %arg3: memref<128x128xf32, #tpu.memory_space<vmem>>, %arg4: memref<1x128xf32, #tpu.memory_space<vmem>>, %arg5: memref<128x128xf32, #tpu.memory_space<vmem>>, %arg6: memref<2000x128xf32, #tpu.memory_space<vmem>>) attributes {dimension_semantics = [#tpu.dimension_semantics<arbitrary>], iteration_bounds = array<i64: 5>, scalar_prefetch = 0 : i64, scratch_operands = 0 : i64, tpu.core_type = #tpu.core_type<tc>, window_params = [{transform_indices = @transform_0, window_bounds = array<i64: 2000, 128>}, {transform_indices = @transform_1, window_bounds = array<i64: 2, 2000, 128>}, {pipeline_mode = #tpu.pipeline_mode<synchronous>, transform_indices = @transform_2, window_bounds = array<i64: 128, 128>}, {pipeline_mode = #tpu.pipeline_mode<synchronous>, transform_indices = @transform_3, window_bounds = array<i64: 1, 128>}, {pipeline_mode = #tpu.pipeline_mode<synchronous>, transform_indices = @transform_4, window_bounds = array<i64: 128, 128>}, {transform_indices = @transform_5, window_bounds = array<i64: 2000, 128>}]} {
    %get3A = arith.constant 0 : index
    %get3A_0 = arith.constant 0 : index
    %get3A_1 = vector.load %arg1[%get3A, %get3A_0] : memref<2000x128xf32, #tpu.memory_space<vmem>>, vector<2000x128xf32>
    %get3A_2 = arith.constant 0 : index
    %get3A_3 = arith.constant 0 : index
    %get3A_4 = vector.load %arg3[%get3A_2, %get3A_3] : memref<128x128xf32, #tpu.memory_space<vmem>>, vector<128x128xf32>
    %dot_general3A = arith.constant dense<0.000000e+00> : vector<2000x128xf32>
    %dot_general3A_5 = tpu.matmul %get3A_1, %get3A_4, %dot_general3A {dimension_numbers = #tpu.dot_dimension_numbers<[1], [0], [0], [1], [0, 0, 1, 1], [], []>, transpose_lhs_hint = false} : vector<2000x128xf32>, vector<128x128xf32>, vector<2000x128xf32> -> vector<2000x128xf32>
    %get3A_6 = arith.constant 0 : index
    %get3A_7 = arith.constant 0 : index
    %get3A_8 = vector.load %arg4[%get3A_6, %get3A_7] : memref<1x128xf32, #tpu.memory_space<vmem>>, vector<1x128xf32>
    %add3A = vector.broadcast %get3A_8 : vector<1x128xf32> to vector<2000x128xf32>
    %add3A_9 = arith.addf %dot_general3A_5, %add3A : vector<2000x128xf32>
    %max3A = arith.constant 0.000000e+00 : f32
    %max3A_10 = vector.broadcast %max3A : f32 to vector<2000x128xf32>
    %max3A_11 = arith.maximumf %add3A_9, %max3A_10 : vector<2000x128xf32>
    %get3A_12 = arith.constant 0 : index
    %get3A_13 = arith.constant 0 : index
    %get3A_14 = vector.load %arg5[%get3A_12, %get3A_13] : memref<128x128xf32, #tpu.memory_space<vmem>>, vector<128x128xf32>
    %dot_general3A_15 = arith.constant dense<0.000000e+00> : vector<2000x128xf32>
    %dot_general3A_16 = tpu.matmul %max3A_11, %get3A_14, %dot_general3A_15 {dimension_numbers = #tpu.dot_dimension_numbers<[1], [0], [0], [1], [0, 0, 1, 1], [], []>, transpose_lhs_hint = false} : vector<2000x128xf32>, vector<128x128xf32>, vector<2000x128xf32> -> vector<2000x128xf32>
    %get3A_17 = arith.constant 0 : index
    %get3A_18 = arith.constant 0 : index
    %get3A_19 = arith.constant 0 : index
    %get3A_20 = vector.load %arg2[%get3A_17, %get3A_18, %get3A_19] : memref<2x2000x128xf32, #tpu.memory_space<vmem>>, vector<1x2000x1xf32>
    %get3A_21 = vector.shape_cast %get3A_20 : vector<1x2000x1xf32> to vector<2000x1xf32>
    %get3A_22 = arith.constant 1 : index
    %get3A_23 = arith.constant 0 : index
    %get3A_24 = arith.constant 0 : index
    %get3A_25 = vector.load %arg2[%get3A_22, %get3A_23, %get3A_24] : memref<2x2000x128xf32, #tpu.memory_space<vmem>>, vector<1x2000x1xf32>
    %get3A_26 = vector.shape_cast %get3A_25 : vector<1x2000x1xf32> to vector<2000x1xf32>
    %add3A_27 = arith.addf %get3A_21, %get3A_26 : vector<2000x1xf32>
    %add3A_28 = arith.constant 1.000000e+00 : f32
    %add3A_29 = vector.broadcast %add3A_28 : f32 to vector<2000x1xf32>
    %add3A_30 = arith.addf %add3A_27, %add3A_29 : vector<2000x1xf32>
    %rsqrt3A = math.rsqrt %add3A_30 : vector<2000x1xf32>
    %mul3A = vector.broadcast %rsqrt3A : vector<2000x1xf32> to vector<2000x128xf32>
    %mul3A_31 = arith.mulf %dot_general3A_16, %mul3A : vector<2000x128xf32>
    %swap3A = arith.constant 0 : index
    %swap3A_32 = arith.constant 0 : index
    %swap3A_33 = vector.load %arg6[%swap3A, %swap3A_32] : memref<2000x128xf32, #tpu.memory_space<vmem>>, vector<2000x128xf32>
    tpu.vector_store %arg6[%swap3A, %swap3A_32], %mul3A_31 {strides = array<i32>} : memref<2000x128xf32, #tpu.memory_space<vmem>>, vector<2000x128xf32>,
    return
  }
  func.func @transform_0(%arg0: i32) -> (i32, i32) {
    %c0_i32 = arith.constant 0 : i32
    %c0_i32_0 = arith.constant 0 : i32
    return %arg0, %c0_i32 : i32, i32
  }
  func.func @transform_1(%arg0: i32) -> (i32, i32, i32) {
    %c0_i32 = arith.constant 0 : i32
    %c0_i32_0 = arith.constant 0 : i32
    %c0_i32_1 = arith.constant 0 : i32
    return %c0_i32, %arg0, %c0_i32_0 : i32, i32, i32
  }
  func.func @transform_2(%arg0: i32) -> (i32, i32) {
    %c0_i32 = arith.constant 0 : i32
    %c0_i32_0 = arith.constant 0 : i32
    %c0_i32_1 = arith.constant 0 : i32
    return %c0_i32, %c0_i32_0 : i32, i32
  }
  func.func @transform_3(%arg0: i32) -> (i32, i32) {
    %c0_i32 = arith.constant 0 : i32
    %c0_i32_0 = arith.constant 0 : i32
    %c0_i32_1 = arith.constant 0 : i32
    return %c0_i32, %c0_i32_0 : i32, i32
  }
  func.func @transform_4(%arg0: i32) -> (i32, i32) {
    %c0_i32 = arith.constant 0 : i32
    %c0_i32_0 = arith.constant 0 : i32
    %c0_i32_1 = arith.constant 0 : i32
    return %c0_i32, %c0_i32_0 : i32, i32
  }
  func.func @transform_5(%arg0: i32) -> (i32, i32) {
    %c0_i32 = arith.constant 0 : i32
    %c0_i32_0 = arith.constant 0 : i32
    return %arg0, %c0_i32 : i32, i32
  }
}

module attributes {stable_mosaic.version = 14 : i64} {
  func.func @_tc_mid_body(%arg0: i32, %arg1: memref<2x2000x128xf32, #tpu.memory_space<vmem>>, %arg2: memref<2000x128xf32, #tpu.memory_space<vmem>>, %arg3: memref<2x2000x128xf32, #tpu.memory_space<vmem>>, %arg4: memref<1x128xf32, #tpu.memory_space<vmem>>, %arg5: memref<128x128xf32, #tpu.memory_space<vmem>>, %arg6: memref<2000x128xf32, #tpu.memory_space<vmem>>) attributes {dimension_semantics = [#tpu.dimension_semantics<arbitrary>], iteration_bounds = array<i64: 5>, scalar_prefetch = 0 : i64, scratch_operands = 0 : i64, tpu.core_type = #tpu.core_type<tc>, window_params = [{transform_indices = @transform_0, window_bounds = array<i64: 2, 2000, 128>}, {transform_indices = @transform_1, window_bounds = array<i64: 2000, 128>}, {transform_indices = @transform_2, window_bounds = array<i64: 2, 2000, 128>}, {pipeline_mode = #tpu.pipeline_mode<synchronous>, transform_indices = @transform_3, window_bounds = array<i64: 1, 128>}, {pipeline_mode = #tpu.pipeline_mode<synchronous>, transform_indices = @transform_4, window_bounds = array<i64: 128, 128>}, {transform_indices = @transform_5, window_bounds = array<i64: 2000, 128>}]} {
    %get3A = arith.constant 0 : index
    %get3A_0 = arith.constant 0 : index
    %get3A_1 = arith.constant 0 : index
    %get3A_2 = vector.load %arg3[%get3A, %get3A_0, %get3A_1] : memref<2x2000x128xf32, #tpu.memory_space<vmem>>, vector<1x2000x1xf32>
    %get3A_3 = vector.shape_cast %get3A_2 : vector<1x2000x1xf32> to vector<2000x1xf32>
    %get3A_4 = arith.constant 1 : index
    %get3A_5 = arith.constant 0 : index
    %get3A_6 = arith.constant 0 : index
    %get3A_7 = vector.load %arg3[%get3A_4, %get3A_5, %get3A_6] : memref<2x2000x128xf32, #tpu.memory_space<vmem>>, vector<1x2000x1xf32>
    %get3A_8 = vector.shape_cast %get3A_7 : vector<1x2000x1xf32> to vector<2000x1xf32>
    %add3A = arith.addf %get3A_3, %get3A_8 : vector<2000x1xf32>
    %add3A_9 = arith.constant 1.000000e+00 : f32
    %add3A_10 = vector.broadcast %add3A_9 : f32 to vector<2000x1xf32>
    %add3A_11 = arith.addf %add3A, %add3A_10 : vector<2000x1xf32>
    %rsqrt3A = math.rsqrt %add3A_11 : vector<2000x1xf32>
    %get3A_12 = arith.constant 0 : index
    %get3A_13 = arith.constant 0 : index
    %get3A_14 = arith.constant 0 : index
    %get3A_15 = vector.load %arg1[%get3A_12, %get3A_13, %get3A_14] : memref<2x2000x128xf32, #tpu.memory_space<vmem>>, vector<1x2000x128xf32>
    %get3A_16 = vector.shape_cast %get3A_15 : vector<1x2000x128xf32> to vector<2000x128xf32>
    %get3A_17 = arith.constant 1 : index
    %get3A_18 = arith.constant 0 : index
    %get3A_19 = arith.constant 0 : index
    %get3A_20 = vector.load %arg1[%get3A_17, %get3A_18, %get3A_19] : memref<2x2000x128xf32, #tpu.memory_space<vmem>>, vector<1x2000x128xf32>
    %get3A_21 = vector.shape_cast %get3A_20 : vector<1x2000x128xf32> to vector<2000x128xf32>
    %add3A_22 = arith.addf %get3A_16, %get3A_21 : vector<2000x128xf32>
    %get3A_23 = arith.constant 0 : index
    %get3A_24 = arith.constant 0 : index
    %get3A_25 = vector.load %arg2[%get3A_23, %get3A_24] : memref<2000x128xf32, #tpu.memory_space<vmem>>, vector<2000x128xf32>
    %add3A_26 = arith.addf %add3A_22, %get3A_25 : vector<2000x128xf32>
    %mul3A = vector.broadcast %rsqrt3A : vector<2000x1xf32> to vector<2000x128xf32>
    %mul3A_27 = arith.mulf %mul3A, %add3A_26 : vector<2000x128xf32>
    %get3A_28 = arith.constant 0 : index
    %get3A_29 = arith.constant 0 : index
    %get3A_30 = vector.load %arg4[%get3A_28, %get3A_29] : memref<1x128xf32, #tpu.memory_space<vmem>>, vector<1x128xf32>
    %add3A_31 = vector.broadcast %get3A_30 : vector<1x128xf32> to vector<2000x128xf32>
    %add3A_32 = arith.addf %mul3A_27, %add3A_31 : vector<2000x128xf32>
    %max3A = arith.constant 0.000000e+00 : f32
    %max3A_33 = vector.broadcast %max3A : f32 to vector<2000x128xf32>
    %max3A_34 = arith.maximumf %add3A_32, %max3A_33 : vector<2000x128xf32>
    %get3A_35 = arith.constant 0 : index
    %get3A_36 = arith.constant 0 : index
    %get3A_37 = vector.load %arg5[%get3A_35, %get3A_36] : memref<128x128xf32, #tpu.memory_space<vmem>>, vector<128x128xf32>
    %dot_general3A = arith.constant dense<0.000000e+00> : vector<2000x128xf32>
    %dot_general3A_38 = tpu.matmul %max3A_34, %get3A_37, %dot_general3A {dimension_numbers = #tpu.dot_dimension_numbers<[1], [0], [0], [1], [0, 0, 1, 1], [], []>, transpose_lhs_hint = false} : vector<2000x128xf32>, vector<128x128xf32>, vector<2000x128xf32> -> vector<2000x128xf32>
    %mul3A_39 = vector.broadcast %rsqrt3A : vector<2000x1xf32> to vector<2000x128xf32>
    %mul3A_40 = arith.mulf %dot_general3A_38, %mul3A_39 : vector<2000x128xf32>
    %swap3A = arith.constant 0 : index
    %swap3A_41 = arith.constant 0 : index
    %swap3A_42 = vector.load %arg6[%swap3A, %swap3A_41] : memref<2000x128xf32, #tpu.memory_space<vmem>>, vector<2000x128xf32>
    tpu.vector_store %arg6[%swap3A, %swap3A_41], %mul3A_40 {strides = array<i32>} : memref<2000x128xf32, #tpu.memory_space<vmem>>, vector<2000x128xf32>,
    return
  }
  func.func @transform_0(%arg0: i32) -> (i32, i32, i32) {
    %c0_i32 = arith.constant 0 : i32
    %c0_i32_0 = arith.constant 0 : i32
    %c0_i32_1 = arith.constant 0 : i32
    return %c0_i32, %arg0, %c0_i32_0 : i32, i32, i32
  }
  func.func @transform_1(%arg0: i32) -> (i32, i32) {
    %c0_i32 = arith.constant 0 : i32
    %c0_i32_0 = arith.constant 0 : i32
    return %arg0, %c0_i32 : i32, i32
  }
  func.func @transform_2(%arg0: i32) -> (i32, i32, i32) {
    %c0_i32 = arith.constant 0 : i32
    %c0_i32_0 = arith.constant 0 : i32
    %c0_i32_1 = arith.constant 0 : i32
    return %c0_i32, %arg0, %c0_i32_0 : i32, i32, i32
  }
  func.func @transform_3(%arg0: i32) -> (i32, i32) {
    %c0_i32 = arith.constant 0 : i32
    %c0_i32_0 = arith.constant 0 : i32
    %c0_i32_1 = arith.constant 0 : i32
    return %c0_i32, %c0_i32_0 : i32, i32
  }
  func.func @transform_4(%arg0: i32) -> (i32, i32) {
    %c0_i32 = arith.constant 0 : i32
    %c0_i32_0 = arith.constant 0 : i32
    %c0_i32_1 = arith.constant 0 : i32
    return %c0_i32, %c0_i32_0 : i32, i32
  }
  func.func @transform_5(%arg0: i32) -> (i32, i32) {
    %c0_i32 = arith.constant 0 : i32
    %c0_i32_0 = arith.constant 0 : i32
    return %arg0, %c0_i32 : i32, i32
  }
}

module attributes {stable_mosaic.version = 14 : i64} {
  func.func @_tc_fin_body(%arg0: i32, %arg1: memref<2x2000x128xf32, #tpu.memory_space<vmem>>, %arg2: memref<2000x128xf32, #tpu.memory_space<vmem>>, %arg3: memref<2x2000x128xf32, #tpu.memory_space<vmem>>, %arg4: memref<1x128xf32, #tpu.memory_space<vmem>>, %arg5: memref<128x128xf32, #tpu.memory_space<vmem>>, %arg6: memref<1x128xf32, #tpu.memory_space<vmem>>, %arg7: memref<128x128xf32, #tpu.memory_space<vmem>>, %arg8: memref<1x128xf32, #tpu.memory_space<vmem>>, %arg9: memref<1x128xf32, #tpu.memory_space<vmem>>, %arg10: memref<1x128xf32, #tpu.memory_space<vmem>>) attributes {dimension_semantics = [#tpu.dimension_semantics<arbitrary>], iteration_bounds = array<i64: 5>, scalar_prefetch = 0 : i64, scratch_operands = 1 : i64, tpu.core_type = #tpu.core_type<tc>, window_params = [{transform_indices = @transform_0, window_bounds = array<i64: 2, 2000, 128>}, {transform_indices = @transform_1, window_bounds = array<i64: 2000, 128>}, {transform_indices = @transform_2, window_bounds = array<i64: 2, 2000, 128>}, {pipeline_mode = #tpu.pipeline_mode<synchronous>, transform_indices = @transform_3, window_bounds = array<i64: 1, 128>}, {pipeline_mode = #tpu.pipeline_mode<synchronous>, transform_indices = @transform_4, window_bounds = array<i64: 128, 128>}, {pipeline_mode = #tpu.pipeline_mode<synchronous>, transform_indices = @transform_5, window_bounds = array<i64: 1, 128>}, {pipeline_mode = #tpu.pipeline_mode<synchronous>, transform_indices = @transform_6, window_bounds = array<i64: 128, 128>}, {pipeline_mode = #tpu.pipeline_mode<synchronous>, transform_indices = @transform_7, window_bounds = array<i64: 1, 128>}, {pipeline_mode = #tpu.pipeline_mode<synchronous>, transform_indices = @transform_8, window_bounds = array<i64: 1, 128>}]} {
    %get3A = arith.constant 0 : index
    %get3A_0 = arith.constant 0 : index
    %get3A_1 = arith.constant 0 : index
    %get3A_2 = vector.load %arg3[%get3A, %get3A_0, %get3A_1] : memref<2x2000x128xf32, #tpu.memory_space<vmem>>, vector<1x2000x1xf32>
    %get3A_3 = vector.shape_cast %get3A_2 : vector<1x2000x1xf32> to vector<2000x1xf32>
    %get3A_4 = arith.constant 1 : index
    %get3A_5 = arith.constant 0 : index
    %get3A_6 = arith.constant 0 : index
    %get3A_7 = vector.load %arg3[%get3A_4, %get3A_5, %get3A_6] : memref<2x2000x128xf32, #tpu.memory_space<vmem>>, vector<1x2000x1xf32>
    %get3A_8 = vector.shape_cast %get3A_7 : vector<1x2000x1xf32> to vector<2000x1xf32>
    %add3A = arith.addf %get3A_3, %get3A_8 : vector<2000x1xf32>
    %add3A_9 = arith.constant 1.000000e+00 : f32
    %add3A_10 = vector.broadcast %add3A_9 : f32 to vector<2000x1xf32>
    %add3A_11 = arith.addf %add3A, %add3A_10 : vector<2000x1xf32>
    %rsqrt3A = math.rsqrt %add3A_11 : vector<2000x1xf32>
    %get3A_12 = arith.constant 0 : index
    %get3A_13 = arith.constant 0 : index
    %get3A_14 = arith.constant 0 : index
    %get3A_15 = vector.load %arg1[%get3A_12, %get3A_13, %get3A_14] : memref<2x2000x128xf32, #tpu.memory_space<vmem>>, vector<1x2000x128xf32>
    %get3A_16 = vector.shape_cast %get3A_15 : vector<1x2000x128xf32> to vector<2000x128xf32>
    %get3A_17 = arith.constant 1 : index
    %get3A_18 = arith.constant 0 : index
    %get3A_19 = arith.constant 0 : index
    %get3A_20 = vector.load %arg1[%get3A_17, %get3A_18, %get3A_19] : memref<2x2000x128xf32, #tpu.memory_space<vmem>>, vector<1x2000x128xf32>
    %get3A_21 = vector.shape_cast %get3A_20 : vector<1x2000x128xf32> to vector<2000x128xf32>
    %add3A_22 = arith.addf %get3A_16, %get3A_21 : vector<2000x128xf32>
    %get3A_23 = arith.constant 0 : index
    %get3A_24 = arith.constant 0 : index
    %get3A_25 = vector.load %arg2[%get3A_23, %get3A_24] : memref<2000x128xf32, #tpu.memory_space<vmem>>, vector<2000x128xf32>
    %add3A_26 = arith.addf %add3A_22, %get3A_25 : vector<2000x128xf32>
    %mul3A = vector.broadcast %rsqrt3A : vector<2000x1xf32> to vector<2000x128xf32>
    %mul3A_27 = arith.mulf %mul3A, %add3A_26 : vector<2000x128xf32>
    %get3A_28 = arith.constant 0 : index
    %get3A_29 = arith.constant 0 : index
    %get3A_30 = vector.load %arg4[%get3A_28, %get3A_29] : memref<1x128xf32, #tpu.memory_space<vmem>>, vector<1x128xf32>
    %add3A_31 = vector.broadcast %get3A_30 : vector<1x128xf32> to vector<2000x128xf32>
    %add3A_32 = arith.addf %mul3A_27, %add3A_31 : vector<2000x128xf32>
    %max3A = arith.constant 0.000000e+00 : f32
    %max3A_33 = vector.broadcast %max3A : f32 to vector<2000x128xf32>
    %max3A_34 = arith.maximumf %add3A_32, %max3A_33 : vector<2000x128xf32>
    %reduce_sum3A = arith.constant dense<0.000000e+00> : vector<128xf32>
    %reduce_sum3A_35 = vector.multi_reduction <add>, %max3A_34, %reduce_sum3A [0] : vector<2000x128xf32> to vector<128xf32>
    %broadcast_in_dim3A = vector.shape_cast %reduce_sum3A_35 : vector<128xf32> to vector<1x128xf32>
    %eq3A = arith.constant 0 : i32
    %eq3A_36 = arith.cmpi eq, %arg0, %eq3A : i32
    %convert_element_type3A = arith.extui %eq3A_36 : i1 to i32
    %cond3A = arith.constant 0 : i32
    %cond3A_37 = arith.cmpi ne, %convert_element_type3A, %cond3A : i32
    scf.if %cond3A_37 {
      %swap3A = arith.constant 0 : index
      %swap3A_47 = arith.constant 0 : index
      %swap3A_48 = vector.load %arg10[%swap3A, %swap3A_47] : memref<1x128xf32, #tpu.memory_space<vmem>>, vector<1x128xf32>
      tpu.vector_store %arg10[%swap3A, %swap3A_47], %broadcast_in_dim3A {strides = array<i32>} : memref<1x128xf32, #tpu.memory_space<vmem>>, vector<1x128xf32>,
    } else {
    }
    %gt3A = arith.constant 0 : i32
    %gt3A_38 = arith.cmpi sgt, %arg0, %gt3A : i32
    %convert_element_type3A_39 = arith.extui %gt3A_38 : i1 to i32
    %cond3A_40 = arith.constant 0 : i32
    %cond3A_41 = arith.cmpi ne, %convert_element_type3A_39, %cond3A_40 : i32
    scf.if %cond3A_41 {
      %get3A_47 = arith.constant 0 : index
      %get3A_48 = arith.constant 0 : index
      %get3A_49 = vector.load %arg10[%get3A_47, %get3A_48] : memref<1x128xf32, #tpu.memory_space<vmem>>, vector<1x128xf32>
      %add3A_50 = arith.addf %get3A_49, %broadcast_in_dim3A : vector<1x128xf32>
      %swap3A = arith.constant 0 : index
      %swap3A_51 = arith.constant 0 : index
      %swap3A_52 = vector.load %arg10[%swap3A, %swap3A_51] : memref<1x128xf32, #tpu.memory_space<vmem>>, vector<1x128xf32>
      tpu.vector_store %arg10[%swap3A, %swap3A_51], %add3A_50 {strides = array<i32>} : memref<1x128xf32, #tpu.memory_space<vmem>>, vector<1x128xf32>,
    } else {
    }
    %eq3A_42 = arith.constant 4 : i32
    %eq3A_43 = arith.cmpi eq, %arg0, %eq3A_42 : i32
    %convert_element_type3A_44 = arith.extui %eq3A_43 : i1 to i32
    %cond3A_45 = arith.constant 0 : i32
    %cond3A_46 = arith.cmpi ne, %convert_element_type3A_44, %cond3A_45 : i32
    scf.if %cond3A_46 {
      %get3A_47 = arith.constant 0 : index
      %get3A_48 = arith.constant 0 : index
      %get3A_49 = vector.load %arg10[%get3A_47, %get3A_48] : memref<1x128xf32, #tpu.memory_space<vmem>>, vector<1x128xf32>
      %mul3A_50 = arith.constant 9.99999974E-5 : f32
      %mul3A_51 = vector.broadcast %mul3A_50 : f32 to vector<1x128xf32>
      %mul3A_52 = arith.mulf %get3A_49, %mul3A_51 : vector<1x128xf32>
      %get3A_53 = arith.constant 0 : index
      %get3A_54 = arith.constant 0 : index
      %get3A_55 = vector.load %arg5[%get3A_53, %get3A_54] : memref<128x128xf32, #tpu.memory_space<vmem>>, vector<128x128xf32>
      %dot_general3A = arith.constant dense<0.000000e+00> : vector<1x128xf32>
      %dot_general3A_56 = tpu.matmul %mul3A_52, %get3A_55, %dot_general3A {dimension_numbers = #tpu.dot_dimension_numbers<[1], [0], [0], [1], [0, 0, 1, 1], [], []>, transpose_lhs_hint = false} : vector<1x128xf32>, vector<128x128xf32>, vector<1x128xf32> -> vector<1x128xf32>
      %get3A_57 = arith.constant 0 : index
      %get3A_58 = arith.constant 0 : index
      %get3A_59 = vector.load %arg6[%get3A_57, %get3A_58] : memref<1x128xf32, #tpu.memory_space<vmem>>, vector<1x128xf32>
      %add3A_60 = arith.addf %dot_general3A_56, %get3A_59 : vector<1x128xf32>
      %max3A_61 = arith.constant 0.000000e+00 : f32
      %max3A_62 = vector.broadcast %max3A_61 : f32 to vector<1x128xf32>
      %max3A_63 = arith.maximumf %add3A_60, %max3A_62 : vector<1x128xf32>
      %get3A_64 = arith.constant 0 : index
      %get3A_65 = arith.constant 0 : index
      %get3A_66 = vector.load %arg7[%get3A_64, %get3A_65] : memref<128x128xf32, #tpu.memory_space<vmem>>, vector<128x128xf32>
      %dot_general3A_67 = arith.constant dense<0.000000e+00> : vector<1x128xf32>
      %dot_general3A_68 = tpu.matmul %max3A_63, %get3A_66, %dot_general3A_67 {dimension_numbers = #tpu.dot_dimension_numbers<[1], [0], [0], [1], [0, 0, 1, 1], [], []>, transpose_lhs_hint = false} : vector<1x128xf32>, vector<128x128xf32>, vector<1x128xf32> -> vector<1x128xf32>
      %get3A_69 = arith.constant 0 : index
      %get3A_70 = arith.constant 0 : index
      %get3A_71 = vector.load %arg8[%get3A_69, %get3A_70] : memref<1x128xf32, #tpu.memory_space<vmem>>, vector<1x128xf32>
      %add3A_72 = arith.addf %dot_general3A_68, %get3A_71 : vector<1x128xf32>
      %swap3A = arith.constant 0 : index
      %swap3A_73 = arith.constant 0 : index
      %swap3A_74 = vector.load %arg9[%swap3A, %swap3A_73] : memref<1x128xf32, #tpu.memory_space<vmem>>, vector<1x128xf32>
      tpu.vector_store %arg9[%swap3A, %swap3A_73], %add3A_72 {strides = array<i32>} : memref<1x128xf32, #tpu.memory_space<vmem>>, vector<1x128xf32>,
    } else {
    }
    return
  }
  func.func @transform_0(%arg0: i32) -> (i32, i32, i32) {
    %c0_i32 = arith.constant 0 : i32
    %c0_i32_0 = arith.constant 0 : i32
    %c0_i32_1 = arith.constant 0 : i32
    return %c0_i32, %arg0, %c0_i32_0 : i32, i32, i32
  }
  func.func @transform_1(%arg0: i32) -> (i32, i32) {
    %c0_i32 = arith.constant 0 : i32
    %c0_i32_0 = arith.constant 0 : i32
    return %arg0, %c0_i32 : i32, i32
  }
  func.func @transform_2(%arg0: i32) -> (i32, i32, i32) {
    %c0_i32 = arith.constant 0 : i32
    %c0_i32_0 = arith.constant 0 : i32
    %c0_i32_1 = arith.constant 0 : i32
    return %c0_i32, %arg0, %c0_i32_0 : i32, i32, i32
  }
  func.func @transform_3(%arg0: i32) -> (i32, i32) {
    %c0_i32 = arith.constant 0 : i32
    %c0_i32_0 = arith.constant 0 : i32
    %c0_i32_1 = arith.constant 0 : i32
    return %c0_i32, %c0_i32_0 : i32, i32
  }
  func.func @transform_4(%arg0: i32) -> (i32, i32) {
    %c0_i32 = arith.constant 0 : i32
    %c0_i32_0 = arith.constant 0 : i32
    %c0_i32_1 = arith.constant 0 : i32
    return %c0_i32, %c0_i32_0 : i32, i32
  }
  func.func @transform_5(%arg0: i32) -> (i32, i32) {
    %c0_i32 = arith.constant 0 : i32
    %c0_i32_0 = arith.constant 0 : i32
    %c0_i32_1 = arith.constant 0 : i32
    return %c0_i32, %c0_i32_0 : i32, i32
  }
  func.func @transform_6(%arg0: i32) -> (i32, i32) {
    %c0_i32 = arith.constant 0 : i32
    %c0_i32_0 = arith.constant 0 : i32
    %c0_i32_1 = arith.constant 0 : i32
    return %c0_i32, %c0_i32_0 : i32, i32
  }
  func.func @transform_7(%arg0: i32) -> (i32, i32) {
    %c0_i32 = arith.constant 0 : i32
    %c0_i32_0 = arith.constant 0 : i32
    %c0_i32_1 = arith.constant 0 : i32
    return %c0_i32, %c0_i32_0 : i32, i32
  }
  func.func @transform_8(%arg0: i32) -> (i32, i32) {
    %c0_i32 = arith.constant 0 : i32
    %c0_i32_0 = arith.constant 0 : i32
    %c0_i32_1 = arith.constant 0 : i32
    return %c0_i32, %c0_i32_0 : i32, i32
  }
}

</mosaic_0001>

<sc_bundles>
// kernel: kernel.10.cloned.1.call-start
scs
__scs_entry_jumppad:
0x0: {  	(pc) =	sbr.rel $0x88, $3  }
0x1: {  	(tag) =	ssettag $0x0;
	lr =	simm.s32 $0x1  }
0x2: {  	[smem:$0x3F93] =	sst lr;
	_ =	strace $0xD0000000  }
0x3: {  	_ = 	snop  }
0x4: {  	_ = 	snop  }
0x5: {  	_ = 	snop  }
0x6: {  	_ = 	snop  }
0x7: {  	_ = 	snop  }
__scs_overlays_trampoline_lowered:
0x8: {  	[smem:$0x3FA2] =	sst s0  }
0x9: {  	[smem:$0x3FA3] =	sst s1  }
0xa: {  	[smem:$0x3FA4] =	sst s2  }
0xb: {  	[smem:$0x3FA5] =	sst s3  }
0xc: {  	[smem:$0x3FA6] =	sst s4  }
0xd: {  	[smem:$0x3FA7] =	sst s5  }
0xe: {  	[smem:$0x3FA8] =	sst s6  }
0xf: {  	[smem:$0x3FA9] =	sst s7  }
0x10: {  	[smem:$0x3FAA] =	sst s8  }
0x11: {  	[smem:$0x3FAB] =	sst s9;
	s0 =	simm.s32 @!p0 $0x0  }
0x12: {  	s1 =	sld [smem:$0x3F91];
	s0 =	simm.s32 @p0 $0x1  }
0x13: {  	[smem:$0x3FAC] =	sst s0;
	s0 =	simm.s32 @!p1 $0x0  }
0x14: {  	s2 =	sld [smem:$0x3F90];
	s0 =	simm.s32 @p1 $0x1  }
0x15: {  	[smem:$0x3FAD] =	sst s0;
	s0 =	simm.s32 @!p2 $0x0  }
0x16: {  	s3 =	sld [smem:$0x3FDB];
	s0 =	simm.s32 @p2 $0x1  }
0x17: {  	s4 =	simm.s32 $0x1BF5;
	[smem:$0x3FAF] =	sst s0  }
0x18: {  	s0 =	sld [smem:$0x3F92];
	_ =	swait.ge [sflag:s4], $0x0  }
0x19: {  	s7 =	sld [smem:$0x3F93]  }
0x1a: {  	s8 =	sadd.s32 $0xFFFFE003, lr  }
0x1b: {  	s9 =	sadd.s32 $0xFFFFFEF7, lr;
	s5 =	simm.s32 $0xFFFFFFFF;
	p2 =	slt.u32 s8, $0xFFFFF086  }
0x1c: {  	p1 =	slt.u32 s9, $0xF7A;
	s5 =	simm.s32 @!p2 $0x0  }
0x1d: {  	s5 =	simm.s32 @p1 $0x1;
	p0 =	seq.s32 s7, s2  }
0x1e: {  	s7 =	smul.u32 @!p0 $0xF7A, s2;
	p2 =	seq.s32 @!p0 s5, $0x0  }
0x1f: {  	s9 =	smul.u32 $0xF7A, s1;
	s8 =	simm.s32 @!p0 $0x1BF5;
	p2 =	por !p2, p0  }
0x20: {  	[sflag:s8] =	ssyncset.s32 @!p0 $0xFFFFF086;
	s6 =	sadd.s32 @!p0 s3, s7;
	s7 =	simm.s32 @!p0 $0x108  }
0x21: {  	s3 =	sadd.s32 s3, s9;
	s6 =	sadd.s32 @!p0 $0x88, s6;
	s7 =	simm.s32 @p2 $0x1082  }
0x22: {  	[simem:s7], [sflag:s8] =	dma.local @!p0 [hbm:s6], $0xF7A  }
0x23: {  	s9 =	sor.u32 $0xD0000000, s2;
	s6 =	simm.s32 $0x108;
	_ =	swait.ge @!p0 [sflag:s8], $0x0  }
0x24: {  	s3 =	sadd.s32 $0x88, s3;
	s6 =	simm.s32 @!p1 $0x1082;
	[sflag:s4] =	ssyncset.s32 $0xFFFFF086  }
0x25: {  	[simem:s6], [sflag:s4] =	dma.local [hbm:s3], $0xF7A  }
0x26: {  	[smem:$0x3F93] =	sst s1;
	(tag) =	ssettag s2;
	_ =	strace s9  }
0x27: {  	s1 =	sld [smem:$0x3FA3]  }
0x28: {  	s2 =	sld [smem:$0x3FA4]  }
0x29: {  	s4 =	sld [smem:$0x3FA6]  }
0x2a: {  	p0 =	seq.s32 s5, $0x0;
	s5 =	sld [smem:$0x3FA7]  }
0x2b: {  	s6 =	sld [smem:$0x3FA8]  }
0x2c: {  	s7 =	sld [smem:$0x3FA9]  }
0x2d: {  	s3 =	simm.s32 $0x108;
	s8 =	sld [smem:$0x3FAA]  }
0x2e: {  	s3 =	simm.s32 @!p0 $0x1082;
	s9 =	sld [smem:$0x3FAB]  }
0x2f: {  	lr =	sadd.s32 s0, s3;
	s0 =	sld [smem:$0x3FA2]  }
0x30: {  	s3 =	sld [smem:$0x3FA5]  }
0x31: {  	[smem:$0x3FAE] =	sst s10  }
0x32: {  	s10 =	sld [smem:$0x3FAC];
	_ =	sdelay $0x3  }
0x33: {  	p0 =	seq.s32 s10, $0x1;
	s10 =	sld [smem:$0x3FAE];
	_ =	sdelay $0x3  }
0x34: {  	[smem:$0x3FAE] =	sst s10  }
0x35: {  	s10 =	sld [smem:$0x3FAD];
	_ =	sdelay $0x3  }
0x36: {  	p1 =	seq.s32 s10, $0x1;
	s10 =	sld [smem:$0x3FAE];
	_ =	sdelay $0x3  }
0x37: {  	[smem:$0x3FAE] =	sst s10  }
0x38: {  	s10 =	sld [smem:$0x3FAF]  }
0x39: {  	_ = 	snop;
	(pc) =	sbr.ind lr, $3  }
0x3a: {  	_ = 	snop  }
0x3b: {  	_ = 	snop  }
0x3c: {  	p2 =	seq.s32 s10, $0x1;
	s10 =	sld [smem:$0x3FAE]  }
0x3d: {  	_ =	shalt  }
0x3e: {  	_ =	shalt  }
0x3f: {  	_ =	shalt  }
0x40: {  	_ =	shalt  }
0x41: {  	_ =	shalt  }
0x42: {  	_ =	shalt  }
0x43: {  	_ =	shalt  }
0x44: {  	_ =	shalt  }
0x45: {  	_ =	shalt  }
0x46: {  	_ =	shalt  }
0x47: {  	_ =	shalt  }
0x48: {  	_ =	shalt  }
0x49: {  	_ =	shalt  }
0x4a: {  	_ =	shalt  }
0x4b: {  	_ =	shalt  }
0x4c: {  	_ =	shalt  }
0x4d: {  	_ =	shalt  }
0x4e: {  	_ =	shalt  }
0x4f: {  	_ =	shalt  }
0x50: {  	_ =	shalt  }
0x51: {  	_ =	shalt  }
0x52: {  	_ =	shalt  }
0x53: {  	_ =	shalt  }
0x54: {  	_ =	shalt  }
0x55: {  	_ =	shalt  }
0x56: {  	_ =	shalt  }
0x57: {  	_ =	shalt  }
0x58: {  	_ =	shalt  }
0x59: {  	_ =	shalt  }
0x5a: {  	_ =	shalt  }
0x5b: {  	_ =	shalt  }
0x5c: {  	_ =	shalt  }
0x5d: {  	_ =	shalt  }
0x5e: {  	_ =	shalt  }
0x5f: {  	_ =	shalt  }
0x60: {  	_ =	shalt  }
0x61: {  	_ =	shalt  }
0x62: {  	_ =	shalt  }
0x63: {  	_ =	shalt  }
0x64: {  	_ =	shalt  }
0x65: {  	_ =	shalt  }
0x66: {  	_ =	shalt  }
0x67: {  	_ =	shalt  }
0x68: {  	_ =	shalt  }
0x69: {  	_ =	shalt  }
0x6a: {  	_ =	shalt  }
0x6b: {  	_ =	shalt  }
0x6c: {  	_ =	shalt  }
0x6d: {  	_ =	shalt  }
0x6e: {  	_ =	shalt  }
0x6f: {  	_ =	shalt  }
0x70: {  	_ =	shalt  }
0x71: {  	_ =	shalt  }
0x72: {  	_ =	shalt  }
0x73: {  	_ =	shalt  }
0x74: {  	_ =	shalt  }
0x75: {  	_ =	shalt  }
0x76: {  	_ =	shalt  }
0x77: {  	_ =	shalt  }
0x78: {  	_ =	shalt  }
0x79: {  	_ =	shalt  }
0x7a: {  	_ =	shalt  }
0x7b: {  	_ =	shalt  }
0x7c: {  	_ =	shalt  }
0x7d: {  	_ =	shalt  }
0x7e: {  	_ =	shalt  }
0x7f: {  	_ =	shalt  }
0x80: {  	_ =	shalt  }
0x81: {  	_ =	shalt  }
0x82: {  	_ =	shalt  }
0x83: {  	_ =	shalt  }
0x84: {  	_ =	shalt  }
0x85: {  	_ =	shalt  }
0x86: {  	_ =	shalt  }
0x87: {  	_ =	shalt  }
.Lfunc_end0:
.L_simem_size_0:
called_computation_lowered:
.L_overlay_start_0:
0x88: {  	s2 =	sld [smem:$0x3FD9]  }
0x89: {  	s3 =	sld [smem:$0x3FFE];
	_ =	sdelay $0x1  }
0x8a: {  	s1 =	srdreg.scid  }
0x8b: {  	s0 =	sand.u32 $0x1, s1  }
0x8c: {  	s16 =	sshll.u32 s0, $0xA;
	s2 =	sadd.s32 s3, s2  }
0x8d: {  	s2 =	sadd.s32 s2, s16  }
0x8e: {  	[smem:$0x3FBA] =	sst s2  }
0x8f: {  	_ = 	snop  }
0x90: {  	(tm) =	ssettm $0x1  }
0x91: {  	s17 =	sld [smem:$0x3FFB];
	_ =	sdelay $0x3  }
0x92: {  	_ =	strace s17  }
0x93: {  	s2 =	sld [smem:$0x3FFC];
	_ =	sdelay $0x3  }
0x94: {  	_ =	strace s2  }
0x95: {  	s2 =	sld [smem:$0x3FFD];
	_ =	sdelay $0x3  }
0x96: {  	_ =	strace s2  }
0x97: {  	_ =	strace $0x8FFFFFFF  }
0x98: {  	s18 =	sld [smem:$0x3FDB];
	_ =	sdelay $0x1  }
0x99: {  	s19 =	simm.s32 $_scs_section_size  }
0x9a: {  	s4 =	simm.s32 $_size__tile_overlayer_lowered;
	s5 =	simm.s32 $_tile_overlayer_lowered  }
0x9b: {  	s22 =	simm.s32 $0x1BFF;
	s21 =	sshll.u32 s5, $0x1;
	s2 =	sadd.s32 s19, s18  }
0x9c: {  	s6 =	simm.s32 $0x0;
	s20 =	sshll.u32 s4, $0x1;
	s4 =	sadd.s32 s21, s2  }
0x9d: {  	[timem:s6], [sflag:s22] =	dma.local [hbm:s4], s20  }
0x9e: {  	_ =	swait.ge [sflag:s22], s20  }
0x9f: {  	s3 =	ssub.s32 $0x0, s20;
	[sflag:s22] =	ssyncset.done $0x0  }
0xa0: {  	[sflag:s22] =	ssyncadd.s32 s3;
	_ =	sdelay $0x1  }
0xa1: {  	s23 =	simm.s32 $0x1B8B  }
0xa2: {  	_ =	swait.ge [sflag:s23], $0x1  }
0xa3: {  	[sflag:s23] =	ssyncset.done $0x0  }
0xa4: {  	s25 =	simm.s32 $0x1B8E;
	s24 =	sld [smem:$0x3FFE];
	[sflag:s23] =	ssyncadd.s32 $0xFFFFFFFF  }
0xa5: {  	s26 =	simm.s32 $execute0_lowered;
	[smem:$0x3FD2] =	sst s25  }
0xa6: {  	s4 =	sshll.u32 s26, $0x1;
	_ =	strace $0x80000046;
	[dreg:$0x1] =	wrdreg $0xFFFFFFFF  }
0xa7: {  	s28 =	simm.s32 $_size_execute0_lowered;
	s2 =	sadd.s32 s2, s4;
	[dreg:$0x0] =	wrdreg $0x0  }
0xa8: {  	s4 =	sshll.u32 s28, $0x1;
	[dreg:$0x2] =	wrdreg s2  }
0xa9: {  	[dreg:$0x3] =	wrdreg s4  }
0xaa: {  	[dreg:$0x4] =	wrdreg $0xC0  }
0xab: {  	_ =	task [dreg:s6], $0x5FFFF  }
0xac: {  	[dreg:$0x1] =	wrdreg $0xFFFFFFFF  }
0xad: {  	[dreg:$0x0] =	wrdreg $0x60  }
0xae: {  	[dreg:$0x2] =	wrdreg s24  }
0xaf: {  	[dreg:$0x3] =	wrdreg $0x68000  }
0xb0: {  	[dreg:$0x4] =	wrdreg $0x9  }
0xb1: {  	_ =	task.clear_ibuf [dreg:s6], $0x5FFFF;
	_ =	strace $0x90000046  }
0xb2: {  	s29 =	simm.s32 $0x9;
	_ =	strace $0x80000048  }
0xb3: {  	_ =	swait.ge [sflag:s29], $0x1  }
0xb4: {  	[sflag:s29] =	ssyncadd.s32 $0xFFFFFFFF  }
0xb5: {  	_ =	strace $0x90000048  }
0xb6: {  	_ =	sfence  }
0xb7: {  	s30 =	sld [smem:$0x0];
	_ =	sdelay $0x2  }
0xb8: {  	s31 =	sshll.u32 s1, $0xD;
	s1 =	sshrl.u32 s1, $0x2  }
0xb9: {  	s3 =	sand.u32 $0x4000, s31;
	s1 =	sadd.s32 s1, s30  }
0xba: {  	s0 =	sor.u32 s3, s0;
	s1 =	sshll.u32 s1, $0x11  }
0xbb: {  	s0 =	sor.u32 s1, s0  }
0xbc: {  	s0 =	sadd.s32 $0x8F2B, s0  }
0xbd: {  	[sflag:s0] =	ssyncadd.remote.s32 $0x1  }
0xbe: {  	_ =	sfence.sel $0xFFFF  }
0xbf: {  	[dreg:$0x0] =	wrdreg $0xFFFFFFFF;
	(pc) =	sbr.abs _section_cstart, $3  }
0xc0: {  	[dreg:$0x1] =	wrdreg $0xFFFFFFFF  }
0xc1: {  	_ =	task.clear_ibuf [dreg:s6], $0x2FFFF;
	_ =	strace $0x9FFFFFFF  }
0xc2: {  	(tm) =	ssettm $0x7FFFFFFF  }
0xc3: {  	_ =	shalt  }
tec
execute0_lowered:
.L_overlay_start_1:
0x0: {  	(tag) =	ssettag $0x1  }
0x1: {  	s0 =	stileid.u32  }
0x2: {  	s1 =	srdreg.scid;
	s8 =	smul.u32 $0xA000, s0;
	s12 =	sor.u32 $0x10, s0  }
0x3: {  	s5 =	sand.u32 $0x1, s1;
	s17 =	smul.u32 $0xA000, s12  }
0x4: {  	s4 =	rddreg [dreg:$0x0];
	s13 =	sor.u32 $0x20, s0;
	s19 =	smul.u32 $0x138800, s5  }
0x5: {  	s2 =	rddreg [dreg:$0x1];
	s15 =	sor.u32 $0x30, s0;
	s9 =	smul.u32 $0xA000, s13  }
0x6: {  	s3 =	simm.s32 $0x0;
	s1 =	rddreg [dreg:$0x2];
	s23 =	smul.u32 $0xA000, s15  }
0x7: {  	s6 =	sshll.u32 s0, $0x1;
	[smem:$0x7FF] =	sst s3;
	s24 =	smul.u32 $0x2800, s12  }
0x8: {  	s21 =	sadd.s32 $0xDC00, s4;
	s6 =	sor.u32 s5, s6;
	s25 =	smul.u32 $0x2800, s13  }
0x9: {  	_ =	strace $0x80000047;
	s16 =	ssub.s32 $0x2, s5;
	s28 =	smul.u32 $0x2800, s15  }
0xa: {  	s6 =	smul.u32 $0x500, s6;
	s7 =	sshrl.u32 s16, $0x1;
	s18 =	sshrl.u32 s8, $0x2  }
0xb: {  	s7 =	ssub.s32 s16, s7;
	s20 =	sshrl.u32 s17, $0x2;
	s22 =	sshrl.u32 s9, $0x2  }
0xc: {  	s16 =	sor.u32 $0x40, s0;
	s17 =	sor.u32 $0x50, s0;
	s9 =	sshrl.u32 s23, $0x2  }
0xd: {  	s24 =	sadd.s32 s19, s24;
	s26 =	sadd.s32 s19, s25;
	s10 =	smul.u32 $0xA000, s16  }
0xe: {  	s6 =	sadd.s32 s6, s4;
	s5 =	smax.u32 s7, $0x1;
	s11 =	smul.u32 $0xA000, s17  }
0xf: {  	s7 =	sadd.s32 s20, s2;
	s8 =	sadd.s32 s22, s2;
	s20 =	smul.u32 $0x2800, s0  }
0x10: {  	s9 =	sadd.s32 s9, s2;
	s22 =	sor.u32 $0x70, s0;
	s31 =	smul.u32 $0x2800, s16  }
0x11: {  	s29 =	sshrl.u32 s24, $0x3;
	s30 =	sshrl.u32 s26, $0x3;
	s25 =	smul.u32 $0x2800, s17  }
0x12: {  	s26 =	sadd.s32 s19, s28;
	s4 =	sadd.s32 $0x3C00, s6;
	s6 =	sadd.s32 s18, s2  }
0x13: {  	s18 =	sor.u32 $0x60, s0;
	s23 =	smul.u32 $0xA000, s22;
	s15 =	sadd.s32 s21, s29  }
0x14: {  	s16 =	sadd.s32 s21, s30;
	s17 =	sshrl.u32 s26, $0x3;
	s30 =	smul.u32 $0x2800, s22  }
0x15: {  	p0 =	sgt.u32 s22, $0x7C;
	s22 =	simm.s32 $0x2800;
	s10 =	sshrl.u32 s10, $0x2  }
0x16: {  	s14 =	smul.u32 $0xA000, s18;
	s11 =	sshrl.u32 s11, $0x2;
	s20 =	sadd.s32 s19, s20  }
0x17: {  	s28 =	smul.u32 $0x2800, s18;
	s17 =	sadd.s32 s21, s17;
	s10 =	sadd.s32 s10, s2  }
0x18: {  	s11 =	sadd.s32 s11, s2;
	s23 =	sshrl.u32 s23, $0x2;
	s20 =	sshrl.u32 s20, $0x3  }
0x19: {  	s14 =	sshrl.u32 s14, $0x2;
	s13 =	sadd.s32 s23, s2;
	s23 =	sadd.s32 s19, s31  }
0x1a: {  	s24 =	sadd.s32 s19, s28;
	s12 =	sadd.s32 s14, s2;
	s14 =	sadd.s32 s21, s20  }
0x1b: {  	s29 =	sshrl.u32 s23, $0x3;
	s20 =	sadd.s32 s19, s25;
	s23 =	sadd.s32 s19, s30  }
0x1c: {  	s31 =	sshrl.u32 s24, $0x3;
	s24 =	simm.s32 $0x7D;
	s20 =	sshrl.u32 s20, $0x3  }
0x1d: {  	s18 =	sadd.s32 s21, s29;
	s23 =	sshrl.u32 s23, $0x3;
	s19 =	sadd.s32 s21, s20  }
0x1e: {  	v0 =	vimm.f32 $0.0e+00;
	v1 =	vimm.f32 $1.000000000e+00;
	s20 =	sadd.s32 s21, s31;
	s21 =	sadd.s32 s21, s23;
	s23 =	simm.s32 $0x1  }
.LBB2_1:
0x1f: {  	s25 =	simm.s32 $0x70;
	s26 =	simm.s32 $0x3C0  }
.LBB2_2:
0x20: {  	p1 =	sne.s32 s26, $0xF9C0;
	[tilespmem:s25+$0x2800] =	vst v0  }
0x21: {  	[tilespmem:s25+$0x2790] =	vst v0  }
0x22: {  	[tilespmem:s25+$0x27A0] =	vst v0  }
.Ltmp0:
0x23: {  	[tilespmem:s25+$0x27B0] =	vst v0;
	(pc) =	sbr.rel @p1 .LBB2_2-.Ltmp0, $4  }
0x24: {  	[tilespmem:s25+$0x27C0] =	vst v0  }
0x25: {  	[tilespmem:s25+$0x27D0] =	vst v0  }
0x26: {  	[tilespmem:s25+$0x27E0] =	vst v0  }
0x27: {  	[tilespmem:s25+$0x27F0] =	vst v0;
	s25 =	sshra.s32 s26, $0x2;
	s26 =	sadd.s32 $0x200, s26  }
0x28: {  	[tilespmem:s25+$0x2800] =	vst v0  }
0x29: {  	[tilespmem:s25+$0x2790] =	vst v0  }
0x2a: {  	[tilespmem:s25+$0x27A0] =	vst v0  }
0x2b: {  	[tilespmem:s25+$0x27B0] =	vst v0  }
0x2c: {  	[tilespmem:s25+$0x27C0] =	vst v0  }
0x2d: {  	[tilespmem:s25+$0x27D0] =	vst v0  }
0x2e: {  	[tilespmem:s25+$0x27E0] =	vst v0  }
0x2f: {  	[tilespmem:s25+$0x27F0] =	vst v0  }
0x30: {  	[spmem:s6] =	stream.linear.scatter [tilespmem:s22], [sflag:$0x1], $0x2800, $0x38;
	[tilespmem:$0x1A080] =	vst v63  }
0x31: {  	_ =	swait.ge [sflag:s23], $0x2800  }
0x32: {  	[sflag:s23] =	ssyncset.done $0x0  }
0x33: {  	[sflag:s23] =	ssyncadd.s32 $0xFFFFD800  }
0x34: {  	[spmem:s7] =	stream.linear.scatter [tilespmem:s22], [sflag:$0x1], $0x2800, $0x38;
	[tilespmem:$0x1A080] =	vst v63  }
0x35: {  	_ =	swait.ge [sflag:s23], $0x2800  }
0x36: {  	[sflag:s23] =	ssyncset.done $0x0  }
0x37: {  	[sflag:s23] =	ssyncadd.s32 $0xFFFFD800  }
0x38: {  	[spmem:s8] =	stream.linear.scatter [tilespmem:s22], [sflag:$0x1], $0x2800, $0x38;
	[tilespmem:$0x1A080] =	vst v63  }
0x39: {  	_ =	swait.ge [sflag:s23], $0x2800  }
0x3a: {  	[sflag:s23] =	ssyncset.done $0x0  }
0x3b: {  	[sflag:s23] =	ssyncadd.s32 $0xFFFFD800  }
0x3c: {  	[spmem:s9] =	stream.linear.scatter [tilespmem:s22], [sflag:$0x1], $0x2800, $0x38;
	[tilespmem:$0x1A080] =	vst v63  }
0x3d: {  	_ =	swait.ge [sflag:s23], $0x2800  }
0x3e: {  	[sflag:s23] =	ssyncset.done $0x0  }
0x3f: {  	[sflag:s23] =	ssyncadd.s32 $0xFFFFD800  }
0x40: {  	[spmem:s10] =	stream.linear.scatter [tilespmem:s22], [sflag:$0x1], $0x2800, $0x38;
	[tilespmem:$0x1A080] =	vst v63  }
0x41: {  	_ =	swait.ge [sflag:s23], $0x2800  }
0x42: {  	[sflag:s23] =	ssyncset.done $0x0  }
0x43: {  	[sflag:s23] =	ssyncadd.s32 $0xFFFFD800  }
0x44: {  	[spmem:s11] =	stream.linear.scatter [tilespmem:s22], [sflag:$0x1], $0x2800, $0x38;
	[tilespmem:$0x1A080] =	vst v63  }
0x45: {  	_ =	swait.ge [sflag:s23], $0x2800  }
0x46: {  	[sflag:s23] =	ssyncset.done $0x0  }
0x47: {  	[sflag:s23] =	ssyncadd.s32 $0xFFFFD800  }
0x48: {  	[spmem:s12] =	stream.linear.scatter [tilespmem:s22], [sflag:$0x1], $0x2800, $0x38;
	[tilespmem:$0x1A080] =	vst v63  }
0x49: {  	_ =	swait.ge [sflag:s23], $0x2800  }
0x4a: {  	[sflag:s23] =	ssyncset.done $0x0  }
0x4b: {  	s25 =	simm.s32 @!p0 $0x2800;
	[sflag:s23] =	ssyncadd.s32 $0xFFFFD800  }
0x4c: {  	[spmem:s13] =	stream.linear.scatter @!p0 [tilespmem:s25], [sflag:$0x1], $0x2800, $0x38;
	[tilespmem:$0x1A080] =	vst v63  }
0x4d: {  	s25 =	simm.s32 @!p0 $0x1  }
0x4e: {  	_ =	swait.ge @!p0 [sflag:s25], $0x2800  }
0x4f: {  	[sflag:s25] =	ssyncset.done @!p0 $0x0  }
0x50: {  	[sflag:s25] =	ssyncadd.s32 @!p0 $0xFFFFD800  }
0x51: {  	s26 =	simm.s32 $0x3C0;
	s25 =	simm.s32 $0x70;
	[bflag:$0x0] =	sbarrier.arrive $0xFFFF  }
.LBB2_4:
0x52: {  	p1 =	sne.s32 s26, $0xF9C0;
	[tilespmem:s25+$0x2800] =	vst v1  }
0x53: {  	[tilespmem:s25+$0x2790] =	vst v1  }
0x54: {  	[tilespmem:s25+$0x27A0] =	vst v1  }
.Ltmp1:
0x55: {  	[tilespmem:s25+$0x27B0] =	vst v1;
	(pc) =	sbr.rel @p1 .LBB2_4-.Ltmp1, $4  }
0x56: {  	[tilespmem:s25+$0x27C0] =	vst v1  }
0x57: {  	[tilespmem:s25+$0x27D0] =	vst v1  }
0x58: {  	[tilespmem:s25+$0x27E0] =	vst v1  }
0x59: {  	[tilespmem:s25+$0x27F0] =	vst v1;
	s25 =	sshra.s32 s26, $0x2;
	s26 =	sadd.s32 $0x200, s26  }
0x5a: {  	[tilespmem:s25+$0x2800] =	vst v1  }
0x5b: {  	[tilespmem:s25+$0x2790] =	vst v1  }
0x5c: {  	[tilespmem:s25+$0x27A0] =	vst v1  }
0x5d: {  	[tilespmem:s25+$0x27B0] =	vst v1  }
0x5e: {  	[tilespmem:s25+$0x27C0] =	vst v1  }
0x5f: {  	[tilespmem:s25+$0x27D0] =	vst v1  }
0x60: {  	[tilespmem:s25+$0x27E0] =	vst v1  }
0x61: {  	[tilespmem:s25+$0x27F0] =	vst v1;
	s30 =	simm.s32 $0x0  }
0x62: {  	[tilespmem:s30], [sflag:$0x1] =	stream.linear.gather [hbm4b:s4+s30], $0x2800, $0x38;
	[tilespmem:$0x1A080] =	vst v63  }
0x63: {  	_ =	swait.ge [sflag:s23], $0x2800  }
0x64: {  	[sflag:s23] =	ssyncset.done $0x0  }
0x65: {  	s31 =	simm.s32 $0x0;
	[sflag:s23] =	ssyncadd.s32 $0xFFFFD800  }
0x66: {  	[spmem:s2] =	stream.indirect.scatter.add.f32 [tilespmem:s22], [sflag:$0x1], $0x80, s31, s24, $0xb8;
	[tilespmem:$0x1A080] =	vst v63  }
0x67: {  	_ =	swait.ge [sflag:s23], $0x3E80  }
0x68: {  	s25 =	simm.s32 $0x200;
	[sflag:s23] =	ssyncset.done $0x0  }
.LBB2_6:
0x69: {  	s26 =	sshra.s32 s25, $0x2;
	[sflag:s23] =	ssyncadd.s32 $0xFFFFC180;
	p1 =	sne.s32 s25, $0x9E00  }
0x6a: {  	[spmem:s2] =	stream.indirect.scatter.add.f32 [tilespmem:s22], [sflag:$0x1], $0x80, s26, s24, $0xb8;
	[tilespmem:$0x1A080] =	vst v63  }
.Ltmp2:
0x6b: {  	_ = 	snop;
	(pc) =	sbr.rel @p1 .LBB2_6-.Ltmp2, $4  }
0x6c: {  	_ = 	snop  }
0x6d: {  	s25 =	sadd.s32 $0x200, s25  }
0x6e: {  	_ =	swait.ge [sflag:s23], $0x3E80  }
0x6f: {  	[sflag:s23] =	ssyncset.done $0x0  }
0x70: {  	[sflag:s23] =	ssyncadd.s32 $0xFFFFC180;
	s25 =	sshll.u32 s0, $0x6  }
0x71: {  	s26 =	sshrl.u32 s6, $0x3;
	[bflag:$0x0] =	sbarrier.arrive $0xFFFF;
	s25 =	sor.u32 $0x1C01, s25  }
0x72: {  	[hbm:s14], [sflag:s25] =	dma.local [spmem:s26], $0x500  }
0x73: {  	_ =	swait.ge [sflag:s23], $0x500  }
0x74: {  	[sflag:s23] =	ssyncset.done $0x0  }
0x75: {  	s30 =	sshrl.u32 s7, $0x3;
	[sflag:s23] =	ssyncadd.s32 $0xFFFFFB00  }
0x76: {  	[hbm:s15], [sflag:s25] =	dma.local [spmem:s30], $0x500  }
0x77: {  	_ =	swait.ge [sflag:s23], $0x500  }
0x78: {  	[sflag:s23] =	ssyncset.done $0x0  }
0x79: {  	s31 =	sshrl.u32 s8, $0x3;
	[sflag:s23] =	ssyncadd.s32 $0xFFFFFB00  }
0x7a: {  	[hbm:s16], [sflag:s25] =	dma.local [spmem:s31], $0x500  }
0x7b: {  	_ =	swait.ge [sflag:s23], $0x500  }
0x7c: {  	[sflag:s23] =	ssyncset.done $0x0  }
0x7d: {  	s28 =	sshrl.u32 s9, $0x3;
	[sflag:s23] =	ssyncadd.s32 $0xFFFFFB00  }
0x7e: {  	[hbm:s17], [sflag:s25] =	dma.local [spmem:s28], $0x500  }
0x7f: {  	_ =	swait.ge [sflag:s23], $0x500  }
0x80: {  	[sflag:s23] =	ssyncset.done $0x0  }
0x81: {  	s29 =	sshrl.u32 s10, $0x3;
	[sflag:s23] =	ssyncadd.s32 $0xFFFFFB00  }
0x82: {  	[hbm:s18], [sflag:s25] =	dma.local [spmem:s29], $0x500  }
0x83: {  	_ =	swait.ge [sflag:s23], $0x500  }
0x84: {  	[sflag:s23] =	ssyncset.done $0x0  }
0x85: {  	s30 =	sshrl.u32 s11, $0x3;
	[sflag:s23] =	ssyncadd.s32 $0xFFFFFB00  }
0x86: {  	[hbm:s19], [sflag:s25] =	dma.local [spmem:s30], $0x500  }
0x87: {  	_ =	swait.ge [sflag:s23], $0x500  }
0x88: {  	[sflag:s23] =	ssyncset.done $0x0  }
0x89: {  	s31 =	sshrl.u32 s12, $0x3;
	[sflag:s23] =	ssyncadd.s32 $0xFFFFFB00  }
0x8a: {  	[hbm:s20], [sflag:s25] =	dma.local [spmem:s31], $0x500  }
0x8b: {  	_ =	swait.ge [sflag:s23], $0x500  }
0x8c: {  	s3 =	sadd.s32 $0x1, s3;
	[sflag:s23] =	ssyncset.done $0x0  }
0x8d: {  	p1 =	sne.s32 s3, s5;
	s26 =	sshrl.u32 @!p0 s13, $0x3;
	[sflag:s23] =	ssyncadd.s32 $0xFFFFFB00  }
0x8e: {  	[hbm:s21], [sflag:s25] =	dma.local @!p0 [spmem:s26], $0x500  }
.Ltmp3:
0x8f: {  	_ = 	snop;
	(pc) =	sbr.rel @p1 .LBB2_1-.Ltmp3, $4  }
0x90: {  	s25 =	simm.s32 @!p0 $0x1  }
0x91: {  	_ =	swait.ge @!p0 [sflag:s25], $0x500  }
0x92: {  	[sflag:s25] =	ssyncset.done @!p0 $0x0  }
0x93: {  	[sflag:s25] =	ssyncadd.s32 @!p0 $0xFFFFFB00  }
0x94: {  	_ =	sfence.sel $0x180000  }
0x95: {  	[bflag:$0x0] =	sbarrier.arrive $0xFFFF  }
0x96: {  	p0 =	sne.s32 s0, $0x0;
	_ =	strace $0x90000047  }
0x97: {  	s0 =	sadd.s32 @!p0 $0x100000, s1;
	[bflag:$0x2] =	sbarrier.arrive $0xFFFF  }
0x98: {  	[sflag:s0] =	ssyncadd.tile.s32 @!p0 $0x1;
	_ =	shalt  }
.Lfunc_end2:
_tile_overlayer_lowered:
.L_overlay_start_2:
0x99: {  	(tag) =	ssettag $0x2  }
0x9a: {  	s0 =	rddreg [dreg:$0x0];
	s2 =	stileid.u32  }
0x9b: {  	s1 =	rddreg [dreg:$0x1];
	p0 =	sne.s32 s2, $0x0  }
0x9c: {  	s3 =	rddreg [dreg:$0x2];
	[bflag:$0x3] =	sbarrier.arrive $0xFFFF;
	s2 =	simm.s32 @!p0 $0x1C01  }
0x9d: {  	[timem:s3], [sflag:s2] =	dma.local @!p0 [hbm:s0], s1  }
0x9e: {  	s0 =	simm.s32 @!p0 $0x1  }
0x9f: {  	_ =	swait.ge @!p0 [sflag:s0], s1  }
0xa0: {  	s1 =	ssub.s32 @!p0 $0x0, s1;
	[sflag:s0] =	ssyncset.done @!p0 $0x0  }
0xa1: {  	[sflag:s0] =	ssyncadd.s32 @!p0 s1  }
0xa2: {  	[bflag:$0x3] =	sbarrier.arrive $0xFFFF  }
0xa3: {  	_ =	shalt  }

// kernel: kernel.13.cloned.1.call-start
scs
__scs_entry_jumppad:
0x0: {  	(pc) =	sbr.rel $0x88, $3  }
0x1: {  	(tag) =	ssettag $0x0;
	lr =	simm.s32 $0x1  }
0x2: {  	[smem:$0x3F93] =	sst lr;
	_ =	strace $0xD0000000  }
0x3: {  	_ = 	snop  }
0x4: {  	_ = 	snop  }
0x5: {  	_ = 	snop  }
0x6: {  	_ = 	snop  }
0x7: {  	_ = 	snop  }
__scs_overlays_trampoline_lowered:
0x8: {  	[smem:$0x3FA2] =	sst s0  }
0x9: {  	[smem:$0x3FA3] =	sst s1  }
0xa: {  	[smem:$0x3FA4] =	sst s2  }
0xb: {  	[smem:$0x3FA5] =	sst s3  }
0xc: {  	[smem:$0x3FA6] =	sst s4  }
0xd: {  	[smem:$0x3FA7] =	sst s5  }
0xe: {  	[smem:$0x3FA8] =	sst s6  }
0xf: {  	[smem:$0x3FA9] =	sst s7  }
0x10: {  	[smem:$0x3FAA] =	sst s8  }
0x11: {  	[smem:$0x3FAB] =	sst s9;
	s0 =	simm.s32 @!p0 $0x0  }
0x12: {  	s1 =	sld [smem:$0x3F91];
	s0 =	simm.s32 @p0 $0x1  }
0x13: {  	[smem:$0x3FAC] =	sst s0;
	s0 =	simm.s32 @!p1 $0x0  }
0x14: {  	s2 =	sld [smem:$0x3F90];
	s0 =	simm.s32 @p1 $0x1  }
0x15: {  	[smem:$0x3FAD] =	sst s0;
	s0 =	simm.s32 @!p2 $0x0  }
0x16: {  	s3 =	sld [smem:$0x3FDB];
	s0 =	simm.s32 @p2 $0x1  }
0x17: {  	s4 =	simm.s32 $0x1BF5;
	[smem:$0x3FAF] =	sst s0  }
0x18: {  	s0 =	sld [smem:$0x3F92];
	_ =	swait.ge [sflag:s4], $0x0  }
0x19: {  	s7 =	sld [smem:$0x3F93]  }
0x1a: {  	s8 =	sadd.s32 $0xFFFFE003, lr  }
0x1b: {  	s9 =	sadd.s32 $0xFFFFFEF7, lr;
	s5 =	simm.s32 $0xFFFFFFFF;
	p2 =	slt.u32 s8, $0xFFFFF086  }
0x1c: {  	p1 =	slt.u32 s9, $0xF7A;
	s5 =	simm.s32 @!p2 $0x0  }
0x1d: {  	s5 =	simm.s32 @p1 $0x1;
	p0 =	seq.s32 s7, s2  }
0x1e: {  	s7 =	smul.u32 @!p0 $0xF7A, s2;
	p2 =	seq.s32 @!p0 s5, $0x0  }
0x1f: {  	s9 =	smul.u32 $0xF7A, s1;
	s8 =	simm.s32 @!p0 $0x1BF5;
	p2 =	por !p2, p0  }
0x20: {  	[sflag:s8] =	ssyncset.s32 @!p0 $0xFFFFF086;
	s6 =	sadd.s32 @!p0 s3, s7;
	s7 =	simm.s32 @!p0 $0x108  }
0x21: {  	s3 =	sadd.s32 s3, s9;
	s6 =	sadd.s32 @!p0 $0x88, s6;
	s7 =	simm.s32 @p2 $0x1082  }
0x22: {  	[simem:s7], [sflag:s8] =	dma.local @!p0 [hbm:s6], $0xF7A  }
0x23: {  	s9 =	sor.u32 $0xD0000000, s2;
	s6 =	simm.s32 $0x108;
	_ =	swait.ge @!p0 [sflag:s8], $0x0  }
0x24: {  	s3 =	sadd.s32 $0x88, s3;
	s6 =	simm.s32 @!p1 $0x1082;
	[sflag:s4] =	ssyncset.s32 $0xFFFFF086  }
0x25: {  	[simem:s6], [sflag:s4] =	dma.local [hbm:s3], $0xF7A  }
0x26: {  	[smem:$0x3F93] =	sst s1;
	(tag) =	ssettag s2;
	_ =	strace s9  }
0x27: {  	s1 =	sld [smem:$0x3FA3]  }
0x28: {  	s2 =	sld [smem:$0x3FA4]  }
0x29: {  	s4 =	sld [smem:$0x3FA6]  }
0x2a: {  	p0 =	seq.s32 s5, $0x0;
	s5 =	sld [smem:$0x3FA7]  }
0x2b: {  	s6 =	sld [smem:$0x3FA8]  }
0x2c: {  	s7 =	sld [smem:$0x3FA9]  }
0x2d: {  	s3 =	simm.s32 $0x108;
	s8 =	sld [smem:$0x3FAA]  }
0x2e: {  	s3 =	simm.s32 @!p0 $0x1082;
	s9 =	sld [smem:$0x3FAB]  }
0x2f: {  	lr =	sadd.s32 s0, s3;
	s0 =	sld [smem:$0x3FA2]  }
0x30: {  	s3 =	sld [smem:$0x3FA5]  }
0x31: {  	[smem:$0x3FAE] =	sst s10  }
0x32: {  	s10 =	sld [smem:$0x3FAC];
	_ =	sdelay $0x3  }
0x33: {  	p0 =	seq.s32 s10, $0x1;
	s10 =	sld [smem:$0x3FAE];
	_ =	sdelay $0x3  }
0x34: {  	[smem:$0x3FAE] =	sst s10  }
0x35: {  	s10 =	sld [smem:$0x3FAD];
	_ =	sdelay $0x3  }
0x36: {  	p1 =	seq.s32 s10, $0x1;
	s10 =	sld [smem:$0x3FAE];
	_ =	sdelay $0x3  }
0x37: {  	[smem:$0x3FAE] =	sst s10  }
0x38: {  	s10 =	sld [smem:$0x3FAF]  }
0x39: {  	_ = 	snop;
	(pc) =	sbr.ind lr, $3  }
0x3a: {  	_ = 	snop  }
0x3b: {  	_ = 	snop  }
0x3c: {  	p2 =	seq.s32 s10, $0x1;
	s10 =	sld [smem:$0x3FAE]  }
0x3d: {  	_ =	shalt  }
0x3e: {  	_ =	shalt  }
0x3f: {  	_ =	shalt  }
0x40: {  	_ =	shalt  }
0x41: {  	_ =	shalt  }
0x42: {  	_ =	shalt  }
0x43: {  	_ =	shalt  }
0x44: {  	_ =	shalt  }
0x45: {  	_ =	shalt  }
0x46: {  	_ =	shalt  }
0x47: {  	_ =	shalt  }
0x48: {  	_ =	shalt  }
0x49: {  	_ =	shalt  }
0x4a: {  	_ =	shalt  }
0x4b: {  	_ =	shalt  }
0x4c: {  	_ =	shalt  }
0x4d: {  	_ =	shalt  }
0x4e: {  	_ =	shalt  }
0x4f: {  	_ =	shalt  }
0x50: {  	_ =	shalt  }
0x51: {  	_ =	shalt  }
0x52: {  	_ =	shalt  }
0x53: {  	_ =	shalt  }
0x54: {  	_ =	shalt  }
0x55: {  	_ =	shalt  }
0x56: {  	_ =	shalt  }
0x57: {  	_ =	shalt  }
0x58: {  	_ =	shalt  }
0x59: {  	_ =	shalt  }
0x5a: {  	_ =	shalt  }
0x5b: {  	_ =	shalt  }
0x5c: {  	_ =	shalt  }
0x5d: {  	_ =	shalt  }
0x5e: {  	_ =	shalt  }
0x5f: {  	_ =	shalt  }
0x60: {  	_ =	shalt  }
0x61: {  	_ =	shalt  }
0x62: {  	_ =	shalt  }
0x63: {  	_ =	shalt  }
0x64: {  	_ =	shalt  }
0x65: {  	_ =	shalt  }
0x66: {  	_ =	shalt  }
0x67: {  	_ =	shalt  }
0x68: {  	_ =	shalt  }
0x69: {  	_ =	shalt  }
0x6a: {  	_ =	shalt  }
0x6b: {  	_ =	shalt  }
0x6c: {  	_ =	shalt  }
0x6d: {  	_ =	shalt  }
0x6e: {  	_ =	shalt  }
0x6f: {  	_ =	shalt  }
0x70: {  	_ =	shalt  }
0x71: {  	_ =	shalt  }
0x72: {  	_ =	shalt  }
0x73: {  	_ =	shalt  }
0x74: {  	_ =	shalt  }
0x75: {  	_ =	shalt  }
0x76: {  	_ =	shalt  }
0x77: {  	_ =	shalt  }
0x78: {  	_ =	shalt  }
0x79: {  	_ =	shalt  }
0x7a: {  	_ =	shalt  }
0x7b: {  	_ =	shalt  }
0x7c: {  	_ =	shalt  }
0x7d: {  	_ =	shalt  }
0x7e: {  	_ =	shalt  }
0x7f: {  	_ =	shalt  }
0x80: {  	_ =	shalt  }
0x81: {  	_ =	shalt  }
0x82: {  	_ =	shalt  }
0x83: {  	_ =	shalt  }
0x84: {  	_ =	shalt  }
0x85: {  	_ =	shalt  }
0x86: {  	_ =	shalt  }
0x87: {  	_ =	shalt  }
.Lfunc_end0:
.L_simem_size_0:
called_computation.1_lowered:
.L_overlay_start_0:
0x88: {  	s2 =	sld [smem:$0x3FD9]  }
0x89: {  	s3 =	sld [smem:$0x3FFE];
	_ =	sdelay $0x1  }
0x8a: {  	s1 =	srdreg.scid  }
0x8b: {  	s0 =	sand.u32 $0x1, s1  }
0x8c: {  	s16 =	sshll.u32 s0, $0xA;
	s2 =	sadd.s32 s3, s2  }
0x8d: {  	s2 =	sadd.s32 s2, s16  }
0x8e: {  	[smem:$0x3FBA] =	sst s2  }
0x8f: {  	_ = 	snop  }
0x90: {  	(tm) =	ssettm $0x1  }
0x91: {  	s17 =	sld [smem:$0x3FFB];
	_ =	sdelay $0x3  }
0x92: {  	_ =	strace s17  }
0x93: {  	s2 =	sld [smem:$0x3FFC];
	_ =	sdelay $0x3  }
0x94: {  	_ =	strace s2  }
0x95: {  	s2 =	sld [smem:$0x3FFD];
	_ =	sdelay $0x3  }
0x96: {  	_ =	strace s2  }
0x97: {  	_ =	strace $0x8FFFFFFF  }
0x98: {  	s18 =	sld [smem:$0x3FDB];
	_ =	sdelay $0x1  }
0x99: {  	s19 =	simm.s32 $_scs_section_size  }
0x9a: {  	s4 =	simm.s32 $_size__tile_overlayer_lowered;
	s5 =	simm.s32 $_tile_overlayer_lowered  }
0x9b: {  	s22 =	simm.s32 $0x1BFF;
	s21 =	sshll.u32 s5, $0x1;
	s2 =	sadd.s32 s19, s18  }
0x9c: {  	s6 =	simm.s32 $0x0;
	s20 =	sshll.u32 s4, $0x1;
	s4 =	sadd.s32 s21, s2  }
0x9d: {  	[timem:s6], [sflag:s22] =	dma.local [hbm:s4], s20  }
0x9e: {  	_ =	swait.ge [sflag:s22], s20  }
0x9f: {  	s3 =	ssub.s32 $0x0, s20;
	[sflag:s22] =	ssyncset.done $0x0  }
0xa0: {  	[sflag:s22] =	ssyncadd.s32 s3;
	_ =	sdelay $0x1  }
0xa1: {  	s23 =	simm.s32 $0x1B8B  }
0xa2: {  	_ =	swait.ge [sflag:s23], $0x1  }
0xa3: {  	[sflag:s23] =	ssyncset.done $0x0  }
0xa4: {  	s25 =	simm.s32 $0x1B8E;
	s24 =	sld [smem:$0x3FFE];
	[sflag:s23] =	ssyncadd.s32 $0xFFFFFFFF  }
0xa5: {  	s26 =	simm.s32 $execute0_lowered;
	[smem:$0x3FD2] =	sst s25  }
0xa6: {  	s4 =	sshll.u32 s26, $0x1;
	_ =	strace $0x80000049;
	[dreg:$0x1] =	wrdreg $0xFFFFFFFF  }
0xa7: {  	s28 =	simm.s32 $_size_execute0_lowered;
	s2 =	sadd.s32 s2, s4;
	[dreg:$0x0] =	wrdreg $0x0  }
0xa8: {  	s4 =	sshll.u32 s28, $0x1;
	[dreg:$0x2] =	wrdreg s2  }
0xa9: {  	[dreg:$0x3] =	wrdreg s4  }
0xaa: {  	[dreg:$0x4] =	wrdreg $0xC0  }
0xab: {  	_ =	task [dreg:s6], $0x5FFFF  }
0xac: {  	[dreg:$0x1] =	wrdreg $0xFFFFFFFF  }
0xad: {  	[dreg:$0x0] =	wrdreg $0x60  }
0xae: {  	[dreg:$0x2] =	wrdreg s24  }
0xaf: {  	[dreg:$0x3] =	wrdreg $0x90000  }
0xb0: {  	[dreg:$0x4] =	wrdreg $0x9  }
0xb1: {  	_ =	task.clear_ibuf [dreg:s6], $0x5FFFF;
	_ =	strace $0x90000049  }
0xb2: {  	s29 =	simm.s32 $0x9;
	_ =	strace $0x8000004B  }
0xb3: {  	_ =	swait.ge [sflag:s29], $0x1  }
0xb4: {  	[sflag:s29] =	ssyncadd.s32 $0xFFFFFFFF  }
0xb5: {  	_ =	strace $0x9000004B  }
0xb6: {  	_ =	sfence  }
0xb7: {  	s30 =	sld [smem:$0x0];
	_ =	sdelay $0x2  }
0xb8: {  	s31 =	sshll.u32 s1, $0xD;
	s1 =	sshrl.u32 s1, $0x2  }
0xb9: {  	s3 =	sand.u32 $0x4000, s31;
	s1 =	sadd.s32 s1, s30  }
0xba: {  	s0 =	sor.u32 s3, s0;
	s1 =	sshll.u32 s1, $0x11  }
0xbb: {  	s0 =	sor.u32 s1, s0  }
0xbc: {  	s0 =	sadd.s32 $0x8F2B, s0  }
0xbd: {  	[sflag:s0] =	ssyncadd.remote.s32 $0x1  }
0xbe: {  	_ =	sfence.sel $0xFFFF  }
0xbf: {  	[dreg:$0x0] =	wrdreg $0xFFFFFFFF;
	(pc) =	sbr.abs _section_cstart, $3  }
0xc0: {  	[dreg:$0x1] =	wrdreg $0xFFFFFFFF  }
0xc1: {  	_ =	task.clear_ibuf [dreg:s6], $0x2FFFF;
	_ =	strace $0x9FFFFFFF  }
0xc2: {  	(tm) =	ssettm $0x7FFFFFFF  }
0xc3: {  	_ =	shalt  }
tec
execute0_lowered:
.L_overlay_start_1:
0x0: {  	(tag) =	ssettag $0x1  }
0x1: {  	s0 =	stileid.u32  }
0x2: {  	s1 =	srdreg.scid;
	s8 =	smul.u32 $0xA000, s0  }
0x3: {  	s6 =	sand.u32 $0x1, s1;
	s30 =	smul.u32 $0x2800, s0  }
0x4: {  	s9 =	sor.u32 $0x10, s0;
	s12 =	smul.u32 $0x138800, s6  }
0x5: {  	s11 =	sor.u32 $0x20, s0;
	s10 =	smul.u32 $0xA000, s9  }
0x6: {  	s14 =	sor.u32 $0x30, s0;
	s13 =	smul.u32 $0xA000, s11  }
0x7: {  	s16 =	sor.u32 $0x40, s0;
	s15 =	smul.u32 $0xA000, s14  }
0x8: {  	s18 =	sor.u32 $0x50, s0;
	s17 =	smul.u32 $0xA000, s16  }
0x9: {  	s21 =	sor.u32 $0x60, s0;
	s20 =	smul.u32 $0xA000, s18  }
0xa: {  	s22 =	smul.u32 $0xA000, s21  }
0xb: {  	s24 =	smul.u32 $0x2800, s9  }
0xc: {  	s5 =	rddreg [dreg:$0x0];
	s1 =	smul.u32 $0x2800, s11  }
0xd: {  	s2 =	rddreg [dreg:$0x1];
	s3 =	simm.s32 $0x0;
	s14 =	smul.u32 $0x2800, s14  }
0xe: {  	s4 =	sshll.u32 s0, $0x1;
	[smem:$0x7FF] =	sst s3;
	s16 =	smul.u32 $0x2800, s16  }
0xf: {  	s23 =	sadd.s32 $0x8D000, s5;
	s25 =	sor.u32 $0x70, s0;
	s18 =	smul.u32 $0x2800, s18  }
0x10: {  	s4 =	sor.u32 s6, s4;
	_ =	strace $0x8000004A;
	s21 =	smul.u32 $0x2800, s21  }
0x11: {  	s26 =	ssub.s32 $0x2, s6;
	s0 =	smul.u32 $0x2800, s25;
	p0 =	sgt.u32 s25, $0x7C  }
0x12: {  	s7 =	smul.u32 $0x500, s4;
	s6 =	sshrl.u32 s26, $0x1;
	s8 =	sshrl.u32 s8, $0x2  }
0x13: {  	s4 =	sadd.s32 $0x65E00, s5;
	s19 =	ssub.s32 s26, s6;
	s8 =	sadd.s32 s8, s2  }
0x14: {  	s10 =	sshrl.u32 s10, $0x2;
	s31 =	sshrl.u32 s13, $0x2;
	s15 =	sshrl.u32 s15, $0x2  }
0x15: {  	s17 =	sshrl.u32 s17, $0x2;
	s20 =	sshrl.u32 s20, $0x2;
	s22 =	sshrl.u32 s22, $0x2  }
0x16: {  	s24 =	sadd.s32 s12, s24;
	s26 =	sadd.s32 s12, s14;
	s28 =	sadd.s32 s12, s16  }
0x17: {  	s29 =	sadd.s32 s12, s18;
	s21 =	sadd.s32 s12, s21;
	s7 =	sadd.s32 s7, s5  }
0x18: {  	s9 =	sadd.s32 s10, s2;
	s10 =	sadd.s32 s31, s2;
	s11 =	sadd.s32 s15, s2  }
0x19: {  	s31 =	sadd.s32 s12, s1;
	s1 =	smul.u32 $0xA000, s25;
	s13 =	sadd.s32 s20, s2  }
0x1a: {  	s14 =	sadd.s32 s22, s2;
	s18 =	sshrl.u32 s24, $0x3;
	s20 =	sshrl.u32 s26, $0x3  }
0x1b: {  	s22 =	sshrl.u32 s28, $0x3;
	s24 =	sshrl.u32 s29, $0x3;
	s26 =	sshrl.u32 s21, $0x3  }
0x1c: {  	s25 =	simm.s32 $0x2;
	s28 =	simm.s32 $0x7D;
	s29 =	simm.s32 $0x1  }
0x1d: {  	s5 =	sadd.s32 $0x5BE00, s7;
	s6 =	sadd.s32 $0x3C00, s7;
	s7 =	smax.u32 s19, $0x1  }
0x1e: {  	s19 =	sadd.s32 s12, s30;
	s30 =	sadd.s32 s12, s0;
	s12 =	sadd.s32 s17, s2  }
0x1f: {  	s21 =	sadd.s32 s23, s24;
	s24 =	simm.s32 $0x5000;
	s16 =	sshrl.u32 s1, $0x2  }
0x20: {  	s17 =	sshrl.u32 s19, $0x3;
	s19 =	sshrl.u32 s31, $0x3;
	s31 =	sshrl.u32 s30, $0x3  }
0x21: {  	s15 =	sadd.s32 s16, s2;
	s16 =	sadd.s32 s23, s17;
	s17 =	sadd.s32 s23, s18  }
0x22: {  	s18 =	sadd.s32 s23, s19;
	s19 =	sadd.s32 s23, s20;
	s20 =	sadd.s32 s23, s22  }
0x23: {  	v0 =	vimm.f32 $0.0e+00;
	s22 =	sadd.s32 s23, s26;
	s23 =	sadd.s32 s23, s31;
	s26 =	simm.s32 $0x2800  }
.LBB2_1:
0x24: {  	s30 =	simm.s32 $0x70;
	s31 =	simm.s32 $0x3C0  }
.LBB2_2:
0x25: {  	p1 =	sne.s32 s31, $0x9FC0;
	[tilespmem:s30+$0x5000] =	vst v0  }
0x26: {  	[tilespmem:s30+$0x4F90] =	vst v0  }
0x27: {  	[tilespmem:s30+$0x4FA0] =	vst v0  }
.Ltmp0:
0x28: {  	[tilespmem:s30+$0x4FB0] =	vst v0;
	(pc) =	sbr.rel @p1 .LBB2_2-.Ltmp0, $4  }
0x29: {  	[tilespmem:s30+$0x4FC0] =	vst v0  }
0x2a: {  	[tilespmem:s30+$0x4FD0] =	vst v0  }
0x2b: {  	[tilespmem:s30+$0x4FE0] =	vst v0  }
0x2c: {  	[tilespmem:s30+$0x4FF0] =	vst v0;
	s30 =	sshra.s32 s31, $0x2;
	s31 =	sadd.s32 $0x200, s31  }
0x2d: {  	[tilespmem:s30+$0x5000] =	vst v0  }
0x2e: {  	[tilespmem:s30+$0x4F90] =	vst v0  }
0x2f: {  	[tilespmem:s30+$0x4FA0] =	vst v0  }
0x30: {  	[tilespmem:s30+$0x4FB0] =	vst v0  }
0x31: {  	[tilespmem:s30+$0x4FC0] =	vst v0  }
0x32: {  	[tilespmem:s30+$0x4FD0] =	vst v0  }
0x33: {  	[tilespmem:s30+$0x4FE0] =	vst v0  }
0x34: {  	[tilespmem:s30+$0x4FF0] =	vst v0  }
0x35: {  	[spmem:s8] =	stream.linear.scatter [tilespmem:s24], [sflag:$0x2], $0x2800, $0x38;
	[tilespmem:$0x1C880] =	vst v63  }
0x36: {  	_ =	swait.ge [sflag:s25], $0x2800  }
0x37: {  	[sflag:s25] =	ssyncset.done $0x0  }
0x38: {  	[sflag:s25] =	ssyncadd.s32 $0xFFFFD800  }
0x39: {  	[spmem:s9] =	stream.linear.scatter [tilespmem:s24], [sflag:$0x2], $0x2800, $0x38;
	[tilespmem:$0x1C880] =	vst v63  }
0x3a: {  	_ =	swait.ge [sflag:s25], $0x2800  }
0x3b: {  	[sflag:s25] =	ssyncset.done $0x0  }
0x3c: {  	[sflag:s25] =	ssyncadd.s32 $0xFFFFD800  }
0x3d: {  	[spmem:s10] =	stream.linear.scatter [tilespmem:s24], [sflag:$0x2], $0x2800, $0x38;
	[tilespmem:$0x1C880] =	vst v63  }
0x3e: {  	_ =	swait.ge [sflag:s25], $0x2800  }
0x3f: {  	[sflag:s25] =	ssyncset.done $0x0  }
0x40: {  	[sflag:s25] =	ssyncadd.s32 $0xFFFFD800  }
0x41: {  	[spmem:s11] =	stream.linear.scatter [tilespmem:s24], [sflag:$0x2], $0x2800, $0x38;
	[tilespmem:$0x1C880] =	vst v63  }
0x42: {  	_ =	swait.ge [sflag:s25], $0x2800  }
0x43: {  	[sflag:s25] =	ssyncset.done $0x0  }
0x44: {  	[sflag:s25] =	ssyncadd.s32 $0xFFFFD800  }
0x45: {  	[spmem:s12] =	stream.linear.scatter [tilespmem:s24], [sflag:$0x2], $0x2800, $0x38;
	[tilespmem:$0x1C880] =	vst v63  }
0x46: {  	_ =	swait.ge [sflag:s25], $0x2800  }
0x47: {  	[sflag:s25] =	ssyncset.done $0x0  }
0x48: {  	[sflag:s25] =	ssyncadd.s32 $0xFFFFD800  }
0x49: {  	[spmem:s13] =	stream.linear.scatter [tilespmem:s24], [sflag:$0x2], $0x2800, $0x38;
	[tilespmem:$0x1C880] =	vst v63  }
0x4a: {  	_ =	swait.ge [sflag:s25], $0x2800  }
0x4b: {  	[sflag:s25] =	ssyncset.done $0x0  }
0x4c: {  	[sflag:s25] =	ssyncadd.s32 $0xFFFFD800  }
0x4d: {  	[spmem:s14] =	stream.linear.scatter [tilespmem:s24], [sflag:$0x2], $0x2800, $0x38;
	[tilespmem:$0x1C880] =	vst v63  }
0x4e: {  	_ =	swait.ge [sflag:s25], $0x2800  }
0x4f: {  	[sflag:s25] =	ssyncset.done $0x0  }
0x50: {  	s30 =	simm.s32 @!p0 $0x5000;
	[sflag:s25] =	ssyncadd.s32 $0xFFFFD800  }
0x51: {  	[spmem:s15] =	stream.linear.scatter @!p0 [tilespmem:s30], [sflag:$0x2], $0x2800, $0x38;
	[tilespmem:$0x1C880] =	vst v63  }
0x52: {  	s30 =	simm.s32 @!p0 $0x2  }
0x53: {  	_ =	swait.ge @!p0 [sflag:s30], $0x2800  }
0x54: {  	[sflag:s30] =	ssyncset.done @!p0 $0x0  }
0x55: {  	[sflag:s30] =	ssyncadd.s32 @!p0 $0xFFFFD800  }
0x56: {  	s30 =	simm.s32 $0x0;
	[bflag:$0x0] =	sbarrier.arrive $0xFFFF  }
0x57: {  	[tilespmem:s30], [sflag:$0x2] =	stream.linear.gather [hbm4b:s5+s30], $0x2800, $0x38;
	[tilespmem:$0x1C880] =	vst v63  }
0x58: {  	_ =	swait.ge [sflag:s25], $0x2800  }
0x59: {  	[sflag:s25] =	ssyncset.done $0x0  }
0x5a: {  	[sflag:s25] =	ssyncadd.s32 $0xFFFFD800  }
0x5b: {  	[tilespmem:s26], [sflag:$0x2] =	stream.linear.gather [hbm4b:s6+s30], $0x2800, $0x38;
	[tilespmem:$0x1C880] =	vst v63  }
0x5c: {  	_ =	swait.ge [sflag:s25], $0x2800  }
0x5d: {  	[sflag:s25] =	ssyncset.done $0x0  }
0x5e: {  	s30 =	simm.s32 $0x0;
	[sflag:s25] =	ssyncadd.s32 $0xFFFFD800  }
0x5f: {  	[tilespmem:s24], [sflag:$0x1] =	stream.indirect.gather [hbm4b:s4+s28], $0x80, s30, s28, $0xb8;
	[tilespmem:$0x1C880] =	vst v63  }
0x60: {  	_ =	swait.ge [sflag:s29], $0x3E80  }
0x61: {  	[sflag:s29] =	ssyncset.done $0x0  }
0x62: {  	s30 =	simm.s32 $0x2800;
	[sflag:s29] =	ssyncadd.s32 $0xFFFFC180  }
0x63: {  	[spmem:s2] =	stream.indirect.scatter.add.f32 [tilespmem:s24], [sflag:$0x2], $0x80, s30, s28, $0xb8;
	[tilespmem:$0x1C880] =	vst v63  }
0x64: {  	_ =	swait.ge [sflag:s25], $0x3E80  }
0x65: {  	s31 =	simm.s32 $0x400;
	s30 =	simm.s32 $0x200;
	[sflag:s25] =	ssyncset.done $0x0  }
.LBB2_4:
0x66: {  	s1 =	sshra.s32 s30, $0x2  }
0x67: {  	[sflag:s25] =	ssyncadd.s32 $0xFFFFC180;
	s30 =	smov.u32 s31;
	s0 =	sadd.s32 $0x200, s31  }
0x68: {  	[tilespmem:s24], [sflag:$0x1] =	stream.indirect.gather [hbm4b:s4+s28], $0x80, s1, s28, $0xb8;
	[tilespmem:$0x1C880] =	vst v63  }
0x69: {  	p1 =	sne.s32 s31, $0x9E00;
	_ =	swait.ge [sflag:s29], $0x3E80  }
.Ltmp1:
0x6a: {  	[sflag:s29] =	ssyncset.done $0x0;
	(pc) =	sbr.rel @p1 .LBB2_4-.Ltmp1, $4  }
0x6b: {  	s1 =	sadd.s32 $0x2800, s1;
	[sflag:s29] =	ssyncadd.s32 $0xFFFFC180  }
0x6c: {  	[spmem:s2] =	stream.indirect.scatter.add.f32 [tilespmem:s24], [sflag:$0x2], $0x80, s1, s28, $0xb8;
	[tilespmem:$0x1C880] =	vst v63  }
0x6d: {  	_ =	swait.ge [sflag:s25], $0x3E80  }
0x6e: {  	s31 =	smov.u32 s0;
	[sflag:s25] =	ssyncset.done $0x0  }
0x6f: {  	s0 =	sshra.s32 s30, $0x2;
	[sflag:s25] =	ssyncadd.s32 $0xFFFFC180  }
0x70: {  	[tilespmem:s24], [sflag:$0x1] =	stream.indirect.gather [hbm4b:s4+s28], $0x80, s0, s28, $0xb8;
	[tilespmem:$0x1C880] =	vst v63  }
0x71: {  	_ =	swait.ge [sflag:s29], $0x3E80  }
0x72: {  	[sflag:s29] =	ssyncset.done $0x0  }
0x73: {  	s0 =	sadd.s32 $0x2800, s0;
	[sflag:s29] =	ssyncadd.s32 $0xFFFFC180  }
0x74: {  	[spmem:s2] =	stream.indirect.scatter.add.f32 [tilespmem:s24], [sflag:$0x2], $0x80, s0, s28, $0xb8;
	[tilespmem:$0x1C880] =	vst v63  }
0x75: {  	_ =	swait.ge [sflag:s25], $0x3E80  }
0x76: {  	s1 =	stileid.u32;
	[sflag:s25] =	ssyncset.done $0x0  }
0x77: {  	s0 =	sshll.u32 s1, $0x6;
	[sflag:s25] =	ssyncadd.s32 $0xFFFFC180  }
0x78: {  	s1 =	sshrl.u32 s8, $0x3;
	s0 =	sor.u32 $0x1C02, s0;
	[bflag:$0x0] =	sbarrier.arrive $0xFFFF  }
0x79: {  	[hbm:s16], [sflag:s0] =	dma.local [spmem:s1], $0x500  }
0x7a: {  	_ =	swait.ge [sflag:s25], $0x500  }
0x7b: {  	[sflag:s25] =	ssyncset.done $0x0  }
0x7c: {  	s30 =	sshrl.u32 s9, $0x3;
	[sflag:s25] =	ssyncadd.s32 $0xFFFFFB00  }
0x7d: {  	[hbm:s17], [sflag:s0] =	dma.local [spmem:s30], $0x500  }
0x7e: {  	_ =	swait.ge [sflag:s25], $0x500  }
0x7f: {  	[sflag:s25] =	ssyncset.done $0x0  }
0x80: {  	s31 =	sshrl.u32 s10, $0x3;
	[sflag:s25] =	ssyncadd.s32 $0xFFFFFB00  }
0x81: {  	[hbm:s18], [sflag:s0] =	dma.local [spmem:s31], $0x500  }
0x82: {  	_ =	swait.ge [sflag:s25], $0x500  }
0x83: {  	[sflag:s25] =	ssyncset.done $0x0  }
0x84: {  	s30 =	sshrl.u32 s11, $0x3;
	[sflag:s25] =	ssyncadd.s32 $0xFFFFFB00  }
0x85: {  	[hbm:s19], [sflag:s0] =	dma.local [spmem:s30], $0x500  }
0x86: {  	_ =	swait.ge [sflag:s25], $0x500  }
0x87: {  	[sflag:s25] =	ssyncset.done $0x0  }
0x88: {  	s31 =	sshrl.u32 s12, $0x3;
	[sflag:s25] =	ssyncadd.s32 $0xFFFFFB00  }
0x89: {  	[hbm:s20], [sflag:s0] =	dma.local [spmem:s31], $0x500  }
0x8a: {  	_ =	swait.ge [sflag:s25], $0x500  }
0x8b: {  	[sflag:s25] =	ssyncset.done $0x0  }
0x8c: {  	s30 =	sshrl.u32 s13, $0x3;
	[sflag:s25] =	ssyncadd.s32 $0xFFFFFB00  }
0x8d: {  	[hbm:s21], [sflag:s0] =	dma.local [spmem:s30], $0x500  }
0x8e: {  	_ =	swait.ge [sflag:s25], $0x500  }
0x8f: {  	[sflag:s25] =	ssyncset.done $0x0  }
0x90: {  	s31 =	sshrl.u32 s14, $0x3;
	[sflag:s25] =	ssyncadd.s32 $0xFFFFFB00  }
0x91: {  	[hbm:s22], [sflag:s0] =	dma.local [spmem:s31], $0x500  }
0x92: {  	_ =	swait.ge [sflag:s25], $0x500  }
0x93: {  	s3 =	sadd.s32 $0x1, s3;
	[sflag:s25] =	ssyncset.done $0x0  }
0x94: {  	p1 =	sne.s32 s3, s7;
	s1 =	sshrl.u32 @!p0 s15, $0x3;
	[sflag:s25] =	ssyncadd.s32 $0xFFFFFB00  }
0x95: {  	[hbm:s23], [sflag:s0] =	dma.local @!p0 [spmem:s1], $0x500  }
.Ltmp2:
0x96: {  	_ = 	snop;
	(pc) =	sbr.rel @p1 .LBB2_1-.Ltmp2, $4  }
0x97: {  	s0 =	simm.s32 @!p0 $0x2  }
0x98: {  	_ =	swait.ge @!p0 [sflag:s0], $0x500  }
0x99: {  	[sflag:s0] =	ssyncset.done @!p0 $0x0  }
0x9a: {  	[sflag:s0] =	ssyncadd.s32 @!p0 $0xFFFFFB00  }
0x9b: {  	_ =	sfence.sel $0x180000  }
0x9c: {  	[bflag:$0x0] =	sbarrier.arrive $0xFFFF  }
0x9d: {  	_ =	strace $0x9000004A  }
0x9e: {  	s0 =	stileid.u32;
	[bflag:$0x2] =	sbarrier.arrive $0xFFFF  }
0x9f: {  	p0 =	sne.s32 s0, $0x0;
	s0 =	rddreg [dreg:$0x2]  }
0xa0: {  	s0 =	sadd.s32 @!p0 $0x100000, s0  }
0xa1: {  	[sflag:s0] =	ssyncadd.tile.s32 @!p0 $0x1;
	_ =	shalt  }
.Lfunc_end2:
_tile_overlayer_lowered:
.L_overlay_start_2:
0xa2: {  	(tag) =	ssettag $0x2  }
0xa3: {  	s0 =	rddreg [dreg:$0x0];
	s2 =	stileid.u32  }
0xa4: {  	s1 =	rddreg [dreg:$0x1];
	p0 =	sne.s32 s2, $0x0  }
0xa5: {  	s3 =	rddreg [dreg:$0x2];
	[bflag:$0x3] =	sbarrier.arrive $0xFFFF;
	s2 =	simm.s32 @!p0 $0x1C02  }
0xa6: {  	[timem:s3], [sflag:s2] =	dma.local @!p0 [hbm:s0], s1  }
0xa7: {  	s0 =	simm.s32 @!p0 $0x2  }
0xa8: {  	_ =	swait.ge @!p0 [sflag:s0], s1  }
0xa9: {  	s1 =	ssub.s32 @!p0 $0x0, s1;
	[sflag:s0] =	ssyncset.done @!p0 $0x0  }
0xaa: {  	[sflag:s0] =	ssyncadd.s32 @!p0 s1  }
0xab: {  	[bflag:$0x3] =	sbarrier.arrive $0xFFFF  }
0xac: {  	_ =	shalt  }

// kernel: kernel.16.cloned.1.call-start
scs
__scs_entry_jumppad:
0x0: {  	(pc) =	sbr.rel $0x88, $3  }
0x1: {  	(tag) =	ssettag $0x0;
	lr =	simm.s32 $0x1  }
0x2: {  	[smem:$0x3F93] =	sst lr;
	_ =	strace $0xD0000000  }
0x3: {  	_ = 	snop  }
0x4: {  	_ = 	snop  }
0x5: {  	_ = 	snop  }
0x6: {  	_ = 	snop  }
0x7: {  	_ = 	snop  }
__scs_overlays_trampoline_lowered:
0x8: {  	[smem:$0x3FA2] =	sst s0  }
0x9: {  	[smem:$0x3FA3] =	sst s1  }
0xa: {  	[smem:$0x3FA4] =	sst s2  }
0xb: {  	[smem:$0x3FA5] =	sst s3  }
0xc: {  	[smem:$0x3FA6] =	sst s4  }
0xd: {  	[smem:$0x3FA7] =	sst s5  }
0xe: {  	[smem:$0x3FA8] =	sst s6  }
0xf: {  	[smem:$0x3FA9] =	sst s7  }
0x10: {  	[smem:$0x3FAA] =	sst s8  }
0x11: {  	[smem:$0x3FAB] =	sst s9;
	s0 =	simm.s32 @!p0 $0x0  }
0x12: {  	s1 =	sld [smem:$0x3F91];
	s0 =	simm.s32 @p0 $0x1  }
0x13: {  	[smem:$0x3FAC] =	sst s0;
	s0 =	simm.s32 @!p1 $0x0  }
0x14: {  	s2 =	sld [smem:$0x3F90];
	s0 =	simm.s32 @p1 $0x1  }
0x15: {  	[smem:$0x3FAD] =	sst s0;
	s0 =	simm.s32 @!p2 $0x0  }
0x16: {  	s3 =	sld [smem:$0x3FDB];
	s0 =	simm.s32 @p2 $0x1  }
0x17: {  	s4 =	simm.s32 $0x1BF5;
	[smem:$0x3FAF] =	sst s0  }
0x18: {  	s0 =	sld [smem:$0x3F92];
	_ =	swait.ge [sflag:s4], $0x0  }
0x19: {  	s7 =	sld [smem:$0x3F93]  }
0x1a: {  	s8 =	sadd.s32 $0xFFFFE003, lr  }
0x1b: {  	s9 =	sadd.s32 $0xFFFFFEF7, lr;
	s5 =	simm.s32 $0xFFFFFFFF;
	p2 =	slt.u32 s8, $0xFFFFF086  }
0x1c: {  	p1 =	slt.u32 s9, $0xF7A;
	s5 =	simm.s32 @!p2 $0x0  }
0x1d: {  	s5 =	simm.s32 @p1 $0x1;
	p0 =	seq.s32 s7, s2  }
0x1e: {  	s7 =	smul.u32 @!p0 $0xF7A, s2;
	p2 =	seq.s32 @!p0 s5, $0x0  }
0x1f: {  	s9 =	smul.u32 $0xF7A, s1;
	s8 =	simm.s32 @!p0 $0x1BF5;
	p2 =	por !p2, p0  }
0x20: {  	[sflag:s8] =	ssyncset.s32 @!p0 $0xFFFFF086;
	s6 =	sadd.s32 @!p0 s3, s7;
	s7 =	simm.s32 @!p0 $0x108  }
0x21: {  	s3 =	sadd.s32 s3, s9;
	s6 =	sadd.s32 @!p0 $0x88, s6;
	s7 =	simm.s32 @p2 $0x1082  }
0x22: {  	[simem:s7], [sflag:s8] =	dma.local @!p0 [hbm:s6], $0xF7A  }
0x23: {  	s9 =	sor.u32 $0xD0000000, s2;
	s6 =	simm.s32 $0x108;
	_ =	swait.ge @!p0 [sflag:s8], $0x0  }
0x24: {  	s3 =	sadd.s32 $0x88, s3;
	s6 =	simm.s32 @!p1 $0x1082;
	[sflag:s4] =	ssyncset.s32 $0xFFFFF086  }
0x25: {  	[simem:s6], [sflag:s4] =	dma.local [hbm:s3], $0xF7A  }
0x26: {  	[smem:$0x3F93] =	sst s1;
	(tag) =	ssettag s2;
	_ =	strace s9  }
0x27: {  	s1 =	sld [smem:$0x3FA3]  }
0x28: {  	s2 =	sld [smem:$0x3FA4]  }
0x29: {  	s4 =	sld [smem:$0x3FA6]  }
0x2a: {  	p0 =	seq.s32 s5, $0x0;
	s5 =	sld [smem:$0x3FA7]  }
0x2b: {  	s6 =	sld [smem:$0x3FA8]  }
0x2c: {  	s7 =	sld [smem:$0x3FA9]  }
0x2d: {  	s3 =	simm.s32 $0x108;
	s8 =	sld [smem:$0x3FAA]  }
0x2e: {  	s3 =	simm.s32 @!p0 $0x1082;
	s9 =	sld [smem:$0x3FAB]  }
0x2f: {  	lr =	sadd.s32 s0, s3;
	s0 =	sld [smem:$0x3FA2]  }
0x30: {  	s3 =	sld [smem:$0x3FA5]  }
0x31: {  	[smem:$0x3FAE] =	sst s10  }
0x32: {  	s10 =	sld [smem:$0x3FAC];
	_ =	sdelay $0x3  }
0x33: {  	p0 =	seq.s32 s10, $0x1;
	s10 =	sld [smem:$0x3FAE];
	_ =	sdelay $0x3  }
0x34: {  	[smem:$0x3FAE] =	sst s10  }
0x35: {  	s10 =	sld [smem:$0x3FAD];
	_ =	sdelay $0x3  }
0x36: {  	p1 =	seq.s32 s10, $0x1;
	s10 =	sld [smem:$0x3FAE];
	_ =	sdelay $0x3  }
0x37: {  	[smem:$0x3FAE] =	sst s10  }
0x38: {  	s10 =	sld [smem:$0x3FAF]  }
0x39: {  	_ = 	snop;
	(pc) =	sbr.ind lr, $3  }
0x3a: {  	_ = 	snop  }
0x3b: {  	_ = 	snop  }
0x3c: {  	p2 =	seq.s32 s10, $0x1;
	s10 =	sld [smem:$0x3FAE]  }
0x3d: {  	_ =	shalt  }
0x3e: {  	_ =	shalt  }
0x3f: {  	_ =	shalt  }
0x40: {  	_ =	shalt  }
0x41: {  	_ =	shalt  }
0x42: {  	_ =	shalt  }
0x43: {  	_ =	shalt  }
0x44: {  	_ =	shalt  }
0x45: {  	_ =	shalt  }
0x46: {  	_ =	shalt  }
0x47: {  	_ =	shalt  }
0x48: {  	_ =	shalt  }
0x49: {  	_ =	shalt  }
0x4a: {  	_ =	shalt  }
0x4b: {  	_ =	shalt  }
0x4c: {  	_ =	shalt  }
0x4d: {  	_ =	shalt  }
0x4e: {  	_ =	shalt  }
0x4f: {  	_ =	shalt  }
0x50: {  	_ =	shalt  }
0x51: {  	_ =	shalt  }
0x52: {  	_ =	shalt  }
0x53: {  	_ =	shalt  }
0x54: {  	_ =	shalt  }
0x55: {  	_ =	shalt  }
0x56: {  	_ =	shalt  }
0x57: {  	_ =	shalt  }
0x58: {  	_ =	shalt  }
0x59: {  	_ =	shalt  }
0x5a: {  	_ =	shalt  }
0x5b: {  	_ =	shalt  }
0x5c: {  	_ =	shalt  }
0x5d: {  	_ =	shalt  }
0x5e: {  	_ =	shalt  }
0x5f: {  	_ =	shalt  }
0x60: {  	_ =	shalt  }
0x61: {  	_ =	shalt  }
0x62: {  	_ =	shalt  }
0x63: {  	_ =	shalt  }
0x64: {  	_ =	shalt  }
0x65: {  	_ =	shalt  }
0x66: {  	_ =	shalt  }
0x67: {  	_ =	shalt  }
0x68: {  	_ =	shalt  }
0x69: {  	_ =	shalt  }
0x6a: {  	_ =	shalt  }
0x6b: {  	_ =	shalt  }
0x6c: {  	_ =	shalt  }
0x6d: {  	_ =	shalt  }
0x6e: {  	_ =	shalt  }
0x6f: {  	_ =	shalt  }
0x70: {  	_ =	shalt  }
0x71: {  	_ =	shalt  }
0x72: {  	_ =	shalt  }
0x73: {  	_ =	shalt  }
0x74: {  	_ =	shalt  }
0x75: {  	_ =	shalt  }
0x76: {  	_ =	shalt  }
0x77: {  	_ =	shalt  }
0x78: {  	_ =	shalt  }
0x79: {  	_ =	shalt  }
0x7a: {  	_ =	shalt  }
0x7b: {  	_ =	shalt  }
0x7c: {  	_ =	shalt  }
0x7d: {  	_ =	shalt  }
0x7e: {  	_ =	shalt  }
0x7f: {  	_ =	shalt  }
0x80: {  	_ =	shalt  }
0x81: {  	_ =	shalt  }
0x82: {  	_ =	shalt  }
0x83: {  	_ =	shalt  }
0x84: {  	_ =	shalt  }
0x85: {  	_ =	shalt  }
0x86: {  	_ =	shalt  }
0x87: {  	_ =	shalt  }
.Lfunc_end0:
.L_simem_size_0:
called_computation.2_lowered:
.L_overlay_start_0:
0x88: {  	s2 =	sld [smem:$0x3FD9]  }
0x89: {  	s3 =	sld [smem:$0x3FFE];
	_ =	sdelay $0x1  }
0x8a: {  	s1 =	srdreg.scid  }
0x8b: {  	s0 =	sand.u32 $0x1, s1  }
0x8c: {  	s16 =	sshll.u32 s0, $0xA;
	s2 =	sadd.s32 s3, s2  }
0x8d: {  	s2 =	sadd.s32 s2, s16  }
0x8e: {  	[smem:$0x3FBA] =	sst s2  }
0x8f: {  	_ = 	snop  }
0x90: {  	(tm) =	ssettm $0x1  }
0x91: {  	s17 =	sld [smem:$0x3FFB];
	_ =	sdelay $0x3  }
0x92: {  	_ =	strace s17  }
0x93: {  	s2 =	sld [smem:$0x3FFC];
	_ =	sdelay $0x3  }
0x94: {  	_ =	strace s2  }
0x95: {  	s2 =	sld [smem:$0x3FFD];
	_ =	sdelay $0x3  }
0x96: {  	_ =	strace s2  }
0x97: {  	_ =	strace $0x8FFFFFFF  }
0x98: {  	s18 =	sld [smem:$0x3FDB];
	_ =	sdelay $0x1  }
0x99: {  	s19 =	simm.s32 $_scs_section_size  }
0x9a: {  	s4 =	simm.s32 $_size__tile_overlayer_lowered;
	s5 =	simm.s32 $_tile_overlayer_lowered  }
0x9b: {  	s22 =	simm.s32 $0x1BFF;
	s21 =	sshll.u32 s5, $0x1;
	s2 =	sadd.s32 s19, s18  }
0x9c: {  	s6 =	simm.s32 $0x0;
	s20 =	sshll.u32 s4, $0x1;
	s4 =	sadd.s32 s21, s2  }
0x9d: {  	[timem:s6], [sflag:s22] =	dma.local [hbm:s4], s20  }
0x9e: {  	_ =	swait.ge [sflag:s22], s20  }
0x9f: {  	s3 =	ssub.s32 $0x0, s20;
	[sflag:s22] =	ssyncset.done $0x0  }
0xa0: {  	[sflag:s22] =	ssyncadd.s32 s3;
	_ =	sdelay $0x1  }
0xa1: {  	s23 =	simm.s32 $0x1B8B  }
0xa2: {  	_ =	swait.ge [sflag:s23], $0x1  }
0xa3: {  	[sflag:s23] =	ssyncset.done $0x0  }
0xa4: {  	s25 =	simm.s32 $0x1B8E;
	s24 =	sld [smem:$0x3FFE];
	[sflag:s23] =	ssyncadd.s32 $0xFFFFFFFF  }
0xa5: {  	s26 =	simm.s32 $execute0_lowered;
	[smem:$0x3FD2] =	sst s25  }
0xa6: {  	s4 =	sshll.u32 s26, $0x1;
	_ =	strace $0x8000004C;
	[dreg:$0x1] =	wrdreg $0xFFFFFFFF  }
0xa7: {  	s28 =	simm.s32 $_size_execute0_lowered;
	s2 =	sadd.s32 s2, s4;
	[dreg:$0x0] =	wrdreg $0x0  }
0xa8: {  	s4 =	sshll.u32 s28, $0x1;
	[dreg:$0x2] =	wrdreg s2  }
0xa9: {  	[dreg:$0x3] =	wrdreg s4  }
0xaa: {  	[dreg:$0x4] =	wrdreg $0xC0  }
0xab: {  	_ =	task [dreg:s6], $0x5FFFF  }
0xac: {  	[dreg:$0x1] =	wrdreg $0xFFFFFFFF  }
0xad: {  	[dreg:$0x0] =	wrdreg $0x60  }
0xae: {  	[dreg:$0x2] =	wrdreg s24  }
0xaf: {  	[dreg:$0x3] =	wrdreg $0x90000  }
0xb0: {  	[dreg:$0x4] =	wrdreg $0x9  }
0xb1: {  	_ =	task.clear_ibuf [dreg:s6], $0x5FFFF;
	_ =	strace $0x9000004C  }
0xb2: {  	s29 =	simm.s32 $0x9;
	_ =	strace $0x8000004E  }
0xb3: {  	_ =	swait.ge [sflag:s29], $0x1  }
0xb4: {  	[sflag:s29] =	ssyncadd.s32 $0xFFFFFFFF  }
0xb5: {  	_ =	strace $0x9000004E  }
0xb6: {  	_ =	sfence  }
0xb7: {  	s30 =	sld [smem:$0x0];
	_ =	sdelay $0x2  }
0xb8: {  	s31 =	sshll.u32 s1, $0xD;
	s1 =	sshrl.u32 s1, $0x2  }
0xb9: {  	s3 =	sand.u32 $0x4000, s31;
	s1 =	sadd.s32 s1, s30  }
0xba: {  	s0 =	sor.u32 s3, s0;
	s1 =	sshll.u32 s1, $0x11  }
0xbb: {  	s0 =	sor.u32 s1, s0  }
0xbc: {  	s0 =	sadd.s32 $0x8F2B, s0  }
0xbd: {  	[sflag:s0] =	ssyncadd.remote.s32 $0x1  }
0xbe: {  	_ =	sfence.sel $0xFFFF  }
0xbf: {  	[dreg:$0x0] =	wrdreg $0xFFFFFFFF;
	(pc) =	sbr.abs _section_cstart, $3  }
0xc0: {  	[dreg:$0x1] =	wrdreg $0xFFFFFFFF  }
0xc1: {  	_ =	task.clear_ibuf [dreg:s6], $0x2FFFF;
	_ =	strace $0x9FFFFFFF  }
0xc2: {  	(tm) =	ssettm $0x7FFFFFFF  }
0xc3: {  	_ =	shalt  }
tec
execute0_lowered:
.L_overlay_start_1:
0x0: {  	(tag) =	ssettag $0x1  }
0x1: {  	s0 =	stileid.u32  }
0x2: {  	s1 =	srdreg.scid;
	s8 =	smul.u32 $0xA000, s0  }
0x3: {  	s6 =	sand.u32 $0x1, s1;
	s30 =	smul.u32 $0x2800, s0  }
0x4: {  	s9 =	sor.u32 $0x10, s0;
	s12 =	smul.u32 $0x138800, s6  }
0x5: {  	s11 =	sor.u32 $0x20, s0;
	s10 =	smul.u32 $0xA000, s9  }
0x6: {  	s14 =	sor.u32 $0x30, s0;
	s13 =	smul.u32 $0xA000, s11  }
0x7: {  	s16 =	sor.u32 $0x40, s0;
	s15 =	smul.u32 $0xA000, s14  }
0x8: {  	s18 =	sor.u32 $0x50, s0;
	s17 =	smul.u32 $0xA000, s16  }
0x9: {  	s21 =	sor.u32 $0x60, s0;
	s20 =	smul.u32 $0xA000, s18  }
0xa: {  	s22 =	smul.u32 $0xA000, s21  }
0xb: {  	s24 =	smul.u32 $0x2800, s9  }
0xc: {  	s5 =	rddreg [dreg:$0x0];
	s1 =	smul.u32 $0x2800, s11  }
0xd: {  	s2 =	rddreg [dreg:$0x1];
	s3 =	simm.s32 $0x0;
	s14 =	smul.u32 $0x2800, s14  }
0xe: {  	s4 =	sshll.u32 s0, $0x1;
	[smem:$0x7FF] =	sst s3;
	s16 =	smul.u32 $0x2800, s16  }
0xf: {  	s23 =	sadd.s32 $0x8D000, s5;
	s25 =	sor.u32 $0x70, s0;
	s18 =	smul.u32 $0x2800, s18  }
0x10: {  	s4 =	sor.u32 s6, s4;
	_ =	strace $0x8000004D;
	s21 =	smul.u32 $0x2800, s21  }
0x11: {  	s26 =	ssub.s32 $0x2, s6;
	s0 =	smul.u32 $0x2800, s25;
	p0 =	sgt.u32 s25, $0x7C  }
0x12: {  	s7 =	smul.u32 $0x500, s4;
	s6 =	sshrl.u32 s26, $0x1;
	s8 =	sshrl.u32 s8, $0x2  }
0x13: {  	s4 =	sadd.s32 $0x65E00, s5;
	s19 =	ssub.s32 s26, s6;
	s8 =	sadd.s32 s8, s2  }
0x14: {  	s10 =	sshrl.u32 s10, $0x2;
	s31 =	sshrl.u32 s13, $0x2;
	s15 =	sshrl.u32 s15, $0x2  }
0x15: {  	s17 =	sshrl.u32 s17, $0x2;
	s20 =	sshrl.u32 s20, $0x2;
	s22 =	sshrl.u32 s22, $0x2  }
0x16: {  	s24 =	sadd.s32 s12, s24;
	s26 =	sadd.s32 s12, s14;
	s28 =	sadd.s32 s12, s16  }
0x17: {  	s29 =	sadd.s32 s12, s18;
	s21 =	sadd.s32 s12, s21;
	s7 =	sadd.s32 s7, s5  }
0x18: {  	s9 =	sadd.s32 s10, s2;
	s10 =	sadd.s32 s31, s2;
	s11 =	sadd.s32 s15, s2  }
0x19: {  	s31 =	sadd.s32 s12, s1;
	s1 =	smul.u32 $0xA000, s25;
	s13 =	sadd.s32 s20, s2  }
0x1a: {  	s14 =	sadd.s32 s22, s2;
	s18 =	sshrl.u32 s24, $0x3;
	s20 =	sshrl.u32 s26, $0x3  }
0x1b: {  	s22 =	sshrl.u32 s28, $0x3;
	s24 =	sshrl.u32 s29, $0x3;
	s26 =	sshrl.u32 s21, $0x3  }
0x1c: {  	s25 =	simm.s32 $0x2;
	s28 =	simm.s32 $0x7D;
	s29 =	simm.s32 $0x1  }
0x1d: {  	s5 =	sadd.s32 $0x5BE00, s7;
	s6 =	sadd.s32 $0x3C00, s7;
	s7 =	smax.u32 s19, $0x1  }
0x1e: {  	s19 =	sadd.s32 s12, s30;
	s30 =	sadd.s32 s12, s0;
	s12 =	sadd.s32 s17, s2  }
0x1f: {  	s21 =	sadd.s32 s23, s24;
	s24 =	simm.s32 $0x5000;
	s16 =	sshrl.u32 s1, $0x2  }
0x20: {  	s17 =	sshrl.u32 s19, $0x3;
	s19 =	sshrl.u32 s31, $0x3;
	s31 =	sshrl.u32 s30, $0x3  }
0x21: {  	s15 =	sadd.s32 s16, s2;
	s16 =	sadd.s32 s23, s17;
	s17 =	sadd.s32 s23, s18  }
0x22: {  	s18 =	sadd.s32 s23, s19;
	s19 =	sadd.s32 s23, s20;
	s20 =	sadd.s32 s23, s22  }
0x23: {  	v0 =	vimm.f32 $0.0e+00;
	s22 =	sadd.s32 s23, s26;
	s23 =	sadd.s32 s23, s31;
	s26 =	simm.s32 $0x2800  }
.LBB2_1:
0x24: {  	s30 =	simm.s32 $0x70;
	s31 =	simm.s32 $0x3C0  }
.LBB2_2:
0x25: {  	p1 =	sne.s32 s31, $0x9FC0;
	[tilespmem:s30+$0x5000] =	vst v0  }
0x26: {  	[tilespmem:s30+$0x4F90] =	vst v0  }
0x27: {  	[tilespmem:s30+$0x4FA0] =	vst v0  }
.Ltmp0:
0x28: {  	[tilespmem:s30+$0x4FB0] =	vst v0;
	(pc) =	sbr.rel @p1 .LBB2_2-.Ltmp0, $4  }
0x29: {  	[tilespmem:s30+$0x4FC0] =	vst v0  }
0x2a: {  	[tilespmem:s30+$0x4FD0] =	vst v0  }
0x2b: {  	[tilespmem:s30+$0x4FE0] =	vst v0  }
0x2c: {  	[tilespmem:s30+$0x4FF0] =	vst v0;
	s30 =	sshra.s32 s31, $0x2;
	s31 =	sadd.s32 $0x200, s31  }
0x2d: {  	[tilespmem:s30+$0x5000] =	vst v0  }
0x2e: {  	[tilespmem:s30+$0x4F90] =	vst v0  }
0x2f: {  	[tilespmem:s30+$0x4FA0] =	vst v0  }
0x30: {  	[tilespmem:s30+$0x4FB0] =	vst v0  }
0x31: {  	[tilespmem:s30+$0x4FC0] =	vst v0  }
0x32: {  	[tilespmem:s30+$0x4FD0] =	vst v0  }
0x33: {  	[tilespmem:s30+$0x4FE0] =	vst v0  }
0x34: {  	[tilespmem:s30+$0x4FF0] =	vst v0  }
0x35: {  	[spmem:s8] =	stream.linear.scatter [tilespmem:s24], [sflag:$0x2], $0x2800, $0x38;
	[tilespmem:$0x1C880] =	vst v63  }
0x36: {  	_ =	swait.ge [sflag:s25], $0x2800  }
0x37: {  	[sflag:s25] =	ssyncset.done $0x0  }
0x38: {  	[sflag:s25] =	ssyncadd.s32 $0xFFFFD800  }
0x39: {  	[spmem:s9] =	stream.linear.scatter [tilespmem:s24], [sflag:$0x2], $0x2800, $0x38;
	[tilespmem:$0x1C880] =	vst v63  }
0x3a: {  	_ =	swait.ge [sflag:s25], $0x2800  }
0x3b: {  	[sflag:s25] =	ssyncset.done $0x0  }
0x3c: {  	[sflag:s25] =	ssyncadd.s32 $0xFFFFD800  }
0x3d: {  	[spmem:s10] =	stream.linear.scatter [tilespmem:s24], [sflag:$0x2], $0x2800, $0x38;
	[tilespmem:$0x1C880] =	vst v63  }
0x3e: {  	_ =	swait.ge [sflag:s25], $0x2800  }
0x3f: {  	[sflag:s25] =	ssyncset.done $0x0  }
0x40: {  	[sflag:s25] =	ssyncadd.s32 $0xFFFFD800  }
0x41: {  	[spmem:s11] =	stream.linear.scatter [tilespmem:s24], [sflag:$0x2], $0x2800, $0x38;
	[tilespmem:$0x1C880] =	vst v63  }
0x42: {  	_ =	swait.ge [sflag:s25], $0x2800  }
0x43: {  	[sflag:s25] =	ssyncset.done $0x0  }
0x44: {  	[sflag:s25] =	ssyncadd.s32 $0xFFFFD800  }
0x45: {  	[spmem:s12] =	stream.linear.scatter [tilespmem:s24], [sflag:$0x2], $0x2800, $0x38;
	[tilespmem:$0x1C880] =	vst v63  }
0x46: {  	_ =	swait.ge [sflag:s25], $0x2800  }
0x47: {  	[sflag:s25] =	ssyncset.done $0x0  }
0x48: {  	[sflag:s25] =	ssyncadd.s32 $0xFFFFD800  }
0x49: {  	[spmem:s13] =	stream.linear.scatter [tilespmem:s24], [sflag:$0x2], $0x2800, $0x38;
	[tilespmem:$0x1C880] =	vst v63  }
0x4a: {  	_ =	swait.ge [sflag:s25], $0x2800  }
0x4b: {  	[sflag:s25] =	ssyncset.done $0x0  }
0x4c: {  	[sflag:s25] =	ssyncadd.s32 $0xFFFFD800  }
0x4d: {  	[spmem:s14] =	stream.linear.scatter [tilespmem:s24], [sflag:$0x2], $0x2800, $0x38;
	[tilespmem:$0x1C880] =	vst v63  }
0x4e: {  	_ =	swait.ge [sflag:s25], $0x2800  }
0x4f: {  	[sflag:s25] =	ssyncset.done $0x0  }
0x50: {  	s30 =	simm.s32 @!p0 $0x5000;
	[sflag:s25] =	ssyncadd.s32 $0xFFFFD800  }
0x51: {  	[spmem:s15] =	stream.linear.scatter @!p0 [tilespmem:s30], [sflag:$0x2], $0x2800, $0x38;
	[tilespmem:$0x1C880] =	vst v63  }
0x52: {  	s30 =	simm.s32 @!p0 $0x2  }
0x53: {  	_ =	swait.ge @!p0 [sflag:s30], $0x2800  }
0x54: {  	[sflag:s30] =	ssyncset.done @!p0 $0x0  }
0x55: {  	[sflag:s30] =	ssyncadd.s32 @!p0 $0xFFFFD800  }
0x56: {  	s30 =	simm.s32 $0x0;
	[bflag:$0x0] =	sbarrier.arrive $0xFFFF  }
0x57: {  	[tilespmem:s30], [sflag:$0x2] =	stream.linear.gather [hbm4b:s5+s30], $0x2800, $0x38;
	[tilespmem:$0x1C880] =	vst v63  }
0x58: {  	_ =	swait.ge [sflag:s25], $0x2800  }
0x59: {  	[sflag:s25] =	ssyncset.done $0x0  }
0x5a: {  	[sflag:s25] =	ssyncadd.s32 $0xFFFFD800  }
0x5b: {  	[tilespmem:s26], [sflag:$0x2] =	stream.linear.gather [hbm4b:s6+s30], $0x2800, $0x38;
	[tilespmem:$0x1C880] =	vst v63  }
0x5c: {  	_ =	swait.ge [sflag:s25], $0x2800  }
0x5d: {  	[sflag:s25] =	ssyncset.done $0x0  }
0x5e: {  	s30 =	simm.s32 $0x0;
	[sflag:s25] =	ssyncadd.s32 $0xFFFFD800  }
0x5f: {  	[tilespmem:s24], [sflag:$0x1] =	stream.indirect.gather [hbm4b:s4+s28], $0x80, s30, s28, $0xb8;
	[tilespmem:$0x1C880] =	vst v63  }
0x60: {  	_ =	swait.ge [sflag:s29], $0x3E80  }
0x61: {  	[sflag:s29] =	ssyncset.done $0x0  }
0x62: {  	s30 =	simm.s32 $0x2800;
	[sflag:s29] =	ssyncadd.s32 $0xFFFFC180  }
0x63: {  	[spmem:s2] =	stream.indirect.scatter.add.f32 [tilespmem:s24], [sflag:$0x2], $0x80, s30, s28, $0xb8;
	[tilespmem:$0x1C880] =	vst v63  }
0x64: {  	_ =	swait.ge [sflag:s25], $0x3E80  }
0x65: {  	s31 =	simm.s32 $0x400;
	s30 =	simm.s32 $0x200;
	[sflag:s25] =	ssyncset.done $0x0  }
.LBB2_4:
0x66: {  	s1 =	sshra.s32 s30, $0x2  }
0x67: {  	[sflag:s25] =	ssyncadd.s32 $0xFFFFC180;
	s30 =	smov.u32 s31;
	s0 =	sadd.s32 $0x200, s31  }
0x68: {  	[tilespmem:s24], [sflag:$0x1] =	stream.indirect.gather [hbm4b:s4+s28], $0x80, s1, s28, $0xb8;
	[tilespmem:$0x1C880] =	vst v63  }
0x69: {  	p1 =	sne.s32 s31, $0x9E00;
	_ =	swait.ge [sflag:s29], $0x3E80  }
.Ltmp1:
0x6a: {  	[sflag:s29] =	ssyncset.done $0x0;
	(pc) =	sbr.rel @p1 .LBB2_4-.Ltmp1, $4  }
0x6b: {  	s1 =	sadd.s32 $0x2800, s1;
	[sflag:s29] =	ssyncadd.s32 $0xFFFFC180  }
0x6c: {  	[spmem:s2] =	stream.indirect.scatter.add.f32 [tilespmem:s24], [sflag:$0x2], $0x80, s1, s28, $0xb8;
	[tilespmem:$0x1C880] =	vst v63  }
0x6d: {  	_ =	swait.ge [sflag:s25], $0x3E80  }
0x6e: {  	s31 =	smov.u32 s0;
	[sflag:s25] =	ssyncset.done $0x0  }
0x6f: {  	s0 =	sshra.s32 s30, $0x2;
	[sflag:s25] =	ssyncadd.s32 $0xFFFFC180  }
0x70: {  	[tilespmem:s24], [sflag:$0x1] =	stream.indirect.gather [hbm4b:s4+s28], $0x80, s0, s28, $0xb8;
	[tilespmem:$0x1C880] =	vst v63  }
0x71: {  	_ =	swait.ge [sflag:s29], $0x3E80  }
0x72: {  	[sflag:s29] =	ssyncset.done $0x0  }
0x73: {  	s0 =	sadd.s32 $0x2800, s0;
	[sflag:s29] =	ssyncadd.s32 $0xFFFFC180  }
0x74: {  	[spmem:s2] =	stream.indirect.scatter.add.f32 [tilespmem:s24], [sflag:$0x2], $0x80, s0, s28, $0xb8;
	[tilespmem:$0x1C880] =	vst v63  }
0x75: {  	_ =	swait.ge [sflag:s25], $0x3E80  }
0x76: {  	s1 =	stileid.u32;
	[sflag:s25] =	ssyncset.done $0x0  }
0x77: {  	s0 =	sshll.u32 s1, $0x6;
	[sflag:s25] =	ssyncadd.s32 $0xFFFFC180  }
0x78: {  	s1 =	sshrl.u32 s8, $0x3;
	s0 =	sor.u32 $0x1C02, s0;
	[bflag:$0x0] =	sbarrier.arrive $0xFFFF  }
0x79: {  	[hbm:s16], [sflag:s0] =	dma.local [spmem:s1], $0x500  }
0x7a: {  	_ =	swait.ge [sflag:s25], $0x500  }
0x7b: {  	[sflag:s25] =	ssyncset.done $0x0  }
0x7c: {  	s30 =	sshrl.u32 s9, $0x3;
	[sflag:s25] =	ssyncadd.s32 $0xFFFFFB00  }
0x7d: {  	[hbm:s17], [sflag:s0] =	dma.local [spmem:s30], $0x500  }
0x7e: {  	_ =	swait.ge [sflag:s25], $0x500  }
0x7f: {  	[sflag:s25] =	ssyncset.done $0x0  }
0x80: {  	s31 =	sshrl.u32 s10, $0x3;
	[sflag:s25] =	ssyncadd.s32 $0xFFFFFB00  }
0x81: {  	[hbm:s18], [sflag:s0] =	dma.local [spmem:s31], $0x500  }
0x82: {  	_ =	swait.ge [sflag:s25], $0x500  }
0x83: {  	[sflag:s25] =	ssyncset.done $0x0  }
0x84: {  	s30 =	sshrl.u32 s11, $0x3;
	[sflag:s25] =	ssyncadd.s32 $0xFFFFFB00  }
0x85: {  	[hbm:s19], [sflag:s0] =	dma.local [spmem:s30], $0x500  }
0x86: {  	_ =	swait.ge [sflag:s25], $0x500  }
0x87: {  	[sflag:s25] =	ssyncset.done $0x0  }
0x88: {  	s31 =	sshrl.u32 s12, $0x3;
	[sflag:s25] =	ssyncadd.s32 $0xFFFFFB00  }
0x89: {  	[hbm:s20], [sflag:s0] =	dma.local [spmem:s31], $0x500  }
0x8a: {  	_ =	swait.ge [sflag:s25], $0x500  }
0x8b: {  	[sflag:s25] =	ssyncset.done $0x0  }
0x8c: {  	s30 =	sshrl.u32 s13, $0x3;
	[sflag:s25] =	ssyncadd.s32 $0xFFFFFB00  }
0x8d: {  	[hbm:s21], [sflag:s0] =	dma.local [spmem:s30], $0x500  }
0x8e: {  	_ =	swait.ge [sflag:s25], $0x500  }
0x8f: {  	[sflag:s25] =	ssyncset.done $0x0  }
0x90: {  	s31 =	sshrl.u32 s14, $0x3;
	[sflag:s25] =	ssyncadd.s32 $0xFFFFFB00  }
0x91: {  	[hbm:s22], [sflag:s0] =	dma.local [spmem:s31], $0x500  }
0x92: {  	_ =	swait.ge [sflag:s25], $0x500  }
0x93: {  	s3 =	sadd.s32 $0x1, s3;
	[sflag:s25] =	ssyncset.done $0x0  }
0x94: {  	p1 =	sne.s32 s3, s7;
	s1 =	sshrl.u32 @!p0 s15, $0x3;
	[sflag:s25] =	ssyncadd.s32 $0xFFFFFB00  }
0x95: {  	[hbm:s23], [sflag:s0] =	dma.local @!p0 [spmem:s1], $0x500  }
.Ltmp2:
0x96: {  	_ = 	snop;
	(pc) =	sbr.rel @p1 .LBB2_1-.Ltmp2, $4  }
0x97: {  	s0 =	simm.s32 @!p0 $0x2  }
0x98: {  	_ =	swait.ge @!p0 [sflag:s0], $0x500  }
0x99: {  	[sflag:s0] =	ssyncset.done @!p0 $0x0  }
0x9a: {  	[sflag:s0] =	ssyncadd.s32 @!p0 $0xFFFFFB00  }
0x9b: {  	_ =	sfence.sel $0x180000  }
0x9c: {  	[bflag:$0x0] =	sbarrier.arrive $0xFFFF  }
0x9d: {  	_ =	strace $0x9000004D  }
0x9e: {  	s0 =	stileid.u32;
	[bflag:$0x2] =	sbarrier.arrive $0xFFFF  }
0x9f: {  	p0 =	sne.s32 s0, $0x0;
	s0 =	rddreg [dreg:$0x2]  }
0xa0: {  	s0 =	sadd.s32 @!p0 $0x100000, s0  }
0xa1: {  	[sflag:s0] =	ssyncadd.tile.s32 @!p0 $0x1;
	_ =	shalt  }
.Lfunc_end2:
_tile_overlayer_lowered:
.L_overlay_start_2:
0xa2: {  	(tag) =	ssettag $0x2  }
0xa3: {  	s0 =	rddreg [dreg:$0x0];
	s2 =	stileid.u32  }
0xa4: {  	s1 =	rddreg [dreg:$0x1];
	p0 =	sne.s32 s2, $0x0  }
0xa5: {  	s3 =	rddreg [dreg:$0x2];
	[bflag:$0x3] =	sbarrier.arrive $0xFFFF;
	s2 =	simm.s32 @!p0 $0x1C02  }
0xa6: {  	[timem:s3], [sflag:s2] =	dma.local @!p0 [hbm:s0], s1  }
0xa7: {  	s0 =	simm.s32 @!p0 $0x2  }
0xa8: {  	_ =	swait.ge @!p0 [sflag:s0], s1  }
0xa9: {  	s1 =	ssub.s32 @!p0 $0x0, s1;
	[sflag:s0] =	ssyncset.done @!p0 $0x0  }
0xaa: {  	[sflag:s0] =	ssyncadd.s32 @!p0 s1  }
0xab: {  	[bflag:$0x3] =	sbarrier.arrive $0xFFFF  }
0xac: {  	_ =	shalt  }

// kernel: kernel.19.cloned.1.call-start
scs
__scs_entry_jumppad:
0x0: {  	(pc) =	sbr.rel $0x88, $3  }
0x1: {  	(tag) =	ssettag $0x0;
	lr =	simm.s32 $0x1  }
0x2: {  	[smem:$0x3F93] =	sst lr;
	_ =	strace $0xD0000000  }
0x3: {  	_ = 	snop  }
0x4: {  	_ = 	snop  }
0x5: {  	_ = 	snop  }
0x6: {  	_ = 	snop  }
0x7: {  	_ = 	snop  }
__scs_overlays_trampoline_lowered:
0x8: {  	[smem:$0x3FA2] =	sst s0  }
0x9: {  	[smem:$0x3FA3] =	sst s1  }
0xa: {  	[smem:$0x3FA4] =	sst s2  }
0xb: {  	[smem:$0x3FA5] =	sst s3  }
0xc: {  	[smem:$0x3FA6] =	sst s4  }
0xd: {  	[smem:$0x3FA7] =	sst s5  }
0xe: {  	[smem:$0x3FA8] =	sst s6  }
0xf: {  	[smem:$0x3FA9] =	sst s7  }
0x10: {  	[smem:$0x3FAA] =	sst s8  }
0x11: {  	[smem:$0x3FAB] =	sst s9;
	s0 =	simm.s32 @!p0 $0x0  }
0x12: {  	s1 =	sld [smem:$0x3F91];
	s0 =	simm.s32 @p0 $0x1  }
0x13: {  	[smem:$0x3FAC] =	sst s0;
	s0 =	simm.s32 @!p1 $0x0  }
0x14: {  	s2 =	sld [smem:$0x3F90];
	s0 =	simm.s32 @p1 $0x1  }
0x15: {  	[smem:$0x3FAD] =	sst s0;
	s0 =	simm.s32 @!p2 $0x0  }
0x16: {  	s3 =	sld [smem:$0x3FDB];
	s0 =	simm.s32 @p2 $0x1  }
0x17: {  	s4 =	simm.s32 $0x1BF5;
	[smem:$0x3FAF] =	sst s0  }
0x18: {  	s0 =	sld [smem:$0x3F92];
	_ =	swait.ge [sflag:s4], $0x0  }
0x19: {  	s7 =	sld [smem:$0x3F93]  }
0x1a: {  	s8 =	sadd.s32 $0xFFFFE003, lr  }
0x1b: {  	s9 =	sadd.s32 $0xFFFFFEF7, lr;
	s5 =	simm.s32 $0xFFFFFFFF;
	p2 =	slt.u32 s8, $0xFFFFF086  }
0x1c: {  	p1 =	slt.u32 s9, $0xF7A;
	s5 =	simm.s32 @!p2 $0x0  }
0x1d: {  	s5 =	simm.s32 @p1 $0x1;
	p0 =	seq.s32 s7, s2  }
0x1e: {  	s7 =	smul.u32 @!p0 $0xF7A, s2;
	p2 =	seq.s32 @!p0 s5, $0x0  }
0x1f: {  	s9 =	smul.u32 $0xF7A, s1;
	s8 =	simm.s32 @!p0 $0x1BF5;
	p2 =	por !p2, p0  }
0x20: {  	[sflag:s8] =	ssyncset.s32 @!p0 $0xFFFFF086;
	s6 =	sadd.s32 @!p0 s3, s7;
	s7 =	simm.s32 @!p0 $0x108  }
0x21: {  	s3 =	sadd.s32 s3, s9;
	s6 =	sadd.s32 @!p0 $0x88, s6;
	s7 =	simm.s32 @p2 $0x1082  }
0x22: {  	[simem:s7], [sflag:s8] =	dma.local @!p0 [hbm:s6], $0xF7A  }
0x23: {  	s9 =	sor.u32 $0xD0000000, s2;
	s6 =	simm.s32 $0x108;
	_ =	swait.ge @!p0 [sflag:s8], $0x0  }
0x24: {  	s3 =	sadd.s32 $0x88, s3;
	s6 =	simm.s32 @!p1 $0x1082;
	[sflag:s4] =	ssyncset.s32 $0xFFFFF086  }
0x25: {  	[simem:s6], [sflag:s4] =	dma.local [hbm:s3], $0xF7A  }
0x26: {  	[smem:$0x3F93] =	sst s1;
	(tag) =	ssettag s2;
	_ =	strace s9  }
0x27: {  	s1 =	sld [smem:$0x3FA3]  }
0x28: {  	s2 =	sld [smem:$0x3FA4]  }
0x29: {  	s4 =	sld [smem:$0x3FA6]  }
0x2a: {  	p0 =	seq.s32 s5, $0x0;
	s5 =	sld [smem:$0x3FA7]  }
0x2b: {  	s6 =	sld [smem:$0x3FA8]  }
0x2c: {  	s7 =	sld [smem:$0x3FA9]  }
0x2d: {  	s3 =	simm.s32 $0x108;
	s8 =	sld [smem:$0x3FAA]  }
0x2e: {  	s3 =	simm.s32 @!p0 $0x1082;
	s9 =	sld [smem:$0x3FAB]  }
0x2f: {  	lr =	sadd.s32 s0, s3;
	s0 =	sld [smem:$0x3FA2]  }
0x30: {  	s3 =	sld [smem:$0x3FA5]  }
0x31: {  	[smem:$0x3FAE] =	sst s10  }
0x32: {  	s10 =	sld [smem:$0x3FAC];
	_ =	sdelay $0x3  }
0x33: {  	p0 =	seq.s32 s10, $0x1;
	s10 =	sld [smem:$0x3FAE];
	_ =	sdelay $0x3  }
0x34: {  	[smem:$0x3FAE] =	sst s10  }
0x35: {  	s10 =	sld [smem:$0x3FAD];
	_ =	sdelay $0x3  }
0x36: {  	p1 =	seq.s32 s10, $0x1;
	s10 =	sld [smem:$0x3FAE];
	_ =	sdelay $0x3  }
0x37: {  	[smem:$0x3FAE] =	sst s10  }
0x38: {  	s10 =	sld [smem:$0x3FAF]  }
0x39: {  	_ = 	snop;
	(pc) =	sbr.ind lr, $3  }
0x3a: {  	_ = 	snop  }
0x3b: {  	_ = 	snop  }
0x3c: {  	p2 =	seq.s32 s10, $0x1;
	s10 =	sld [smem:$0x3FAE]  }
0x3d: {  	_ =	shalt  }
0x3e: {  	_ =	shalt  }
0x3f: {  	_ =	shalt  }
0x40: {  	_ =	shalt  }
0x41: {  	_ =	shalt  }
0x42: {  	_ =	shalt  }
0x43: {  	_ =	shalt  }
0x44: {  	_ =	shalt  }
0x45: {  	_ =	shalt  }
0x46: {  	_ =	shalt  }
0x47: {  	_ =	shalt  }
0x48: {  	_ =	shalt  }
0x49: {  	_ =	shalt  }
0x4a: {  	_ =	shalt  }
0x4b: {  	_ =	shalt  }
0x4c: {  	_ =	shalt  }
0x4d: {  	_ =	shalt  }
0x4e: {  	_ =	shalt  }
0x4f: {  	_ =	shalt  }
0x50: {  	_ =	shalt  }
0x51: {  	_ =	shalt  }
0x52: {  	_ =	shalt  }
0x53: {  	_ =	shalt  }
0x54: {  	_ =	shalt  }
0x55: {  	_ =	shalt  }
0x56: {  	_ =	shalt  }
0x57: {  	_ =	shalt  }
0x58: {  	_ =	shalt  }
0x59: {  	_ =	shalt  }
0x5a: {  	_ =	shalt  }
0x5b: {  	_ =	shalt  }
0x5c: {  	_ =	shalt  }
0x5d: {  	_ =	shalt  }
0x5e: {  	_ =	shalt  }
0x5f: {  	_ =	shalt  }
0x60: {  	_ =	shalt  }
0x61: {  	_ =	shalt  }
0x62: {  	_ =	shalt  }
0x63: {  	_ =	shalt  }
0x64: {  	_ =	shalt  }
0x65: {  	_ =	shalt  }
0x66: {  	_ =	shalt  }
0x67: {  	_ =	shalt  }
0x68: {  	_ =	shalt  }
0x69: {  	_ =	shalt  }
0x6a: {  	_ =	shalt  }
0x6b: {  	_ =	shalt  }
0x6c: {  	_ =	shalt  }
0x6d: {  	_ =	shalt  }
0x6e: {  	_ =	shalt  }
0x6f: {  	_ =	shalt  }
0x70: {  	_ =	shalt  }
0x71: {  	_ =	shalt  }
0x72: {  	_ =	shalt  }
0x73: {  	_ =	shalt  }
0x74: {  	_ =	shalt  }
0x75: {  	_ =	shalt  }
0x76: {  	_ =	shalt  }
0x77: {  	_ =	shalt  }
0x78: {  	_ =	shalt  }
0x79: {  	_ =	shalt  }
0x7a: {  	_ =	shalt  }
0x7b: {  	_ =	shalt  }
0x7c: {  	_ =	shalt  }
0x7d: {  	_ =	shalt  }
0x7e: {  	_ =	shalt  }
0x7f: {  	_ =	shalt  }
0x80: {  	_ =	shalt  }
0x81: {  	_ =	shalt  }
0x82: {  	_ =	shalt  }
0x83: {  	_ =	shalt  }
0x84: {  	_ =	shalt  }
0x85: {  	_ =	shalt  }
0x86: {  	_ =	shalt  }
0x87: {  	_ =	shalt  }
.Lfunc_end0:
.L_simem_size_0:
called_computation.3_lowered:
.L_overlay_start_0:
0x88: {  	s2 =	sld [smem:$0x3FD9]  }
0x89: {  	s3 =	sld [smem:$0x3FFE];
	_ =	sdelay $0x1  }
0x8a: {  	s1 =	srdreg.scid  }
0x8b: {  	s0 =	sand.u32 $0x1, s1  }
0x8c: {  	s16 =	sshll.u32 s0, $0xA;
	s2 =	sadd.s32 s3, s2  }
0x8d: {  	s2 =	sadd.s32 s2, s16  }
0x8e: {  	[smem:$0x3FBA] =	sst s2  }
0x8f: {  	_ = 	snop  }
0x90: {  	(tm) =	ssettm $0x1  }
0x91: {  	s17 =	sld [smem:$0x3FFB];
	_ =	sdelay $0x3  }
0x92: {  	_ =	strace s17  }
0x93: {  	s2 =	sld [smem:$0x3FFC];
	_ =	sdelay $0x3  }
0x94: {  	_ =	strace s2  }
0x95: {  	s2 =	sld [smem:$0x3FFD];
	_ =	sdelay $0x3  }
0x96: {  	_ =	strace s2  }
0x97: {  	_ =	strace $0x8FFFFFFF  }
0x98: {  	s18 =	sld [smem:$0x3FDB];
	_ =	sdelay $0x1  }
0x99: {  	s19 =	simm.s32 $_scs_section_size  }
0x9a: {  	s4 =	simm.s32 $_size__tile_overlayer_lowered;
	s5 =	simm.s32 $_tile_overlayer_lowered  }
0x9b: {  	s22 =	simm.s32 $0x1BFF;
	s21 =	sshll.u32 s5, $0x1;
	s2 =	sadd.s32 s19, s18  }
0x9c: {  	s6 =	simm.s32 $0x0;
	s20 =	sshll.u32 s4, $0x1;
	s4 =	sadd.s32 s21, s2  }
0x9d: {  	[timem:s6], [sflag:s22] =	dma.local [hbm:s4], s20  }
0x9e: {  	_ =	swait.ge [sflag:s22], s20  }
0x9f: {  	s3 =	ssub.s32 $0x0, s20;
	[sflag:s22] =	ssyncset.done $0x0  }
0xa0: {  	[sflag:s22] =	ssyncadd.s32 s3;
	_ =	sdelay $0x1  }
0xa1: {  	s23 =	simm.s32 $0x1B8B  }
0xa2: {  	_ =	swait.ge [sflag:s23], $0x1  }
0xa3: {  	[sflag:s23] =	ssyncset.done $0x0  }
0xa4: {  	s25 =	simm.s32 $0x1B8E;
	s24 =	sld [smem:$0x3FFE];
	[sflag:s23] =	ssyncadd.s32 $0xFFFFFFFF  }
0xa5: {  	s26 =	simm.s32 $execute0_lowered;
	[smem:$0x3FD2] =	sst s25  }
0xa6: {  	s4 =	sshll.u32 s26, $0x1;
	_ =	strace $0x8000004F;
	[dreg:$0x1] =	wrdreg $0xFFFFFFFF  }
0xa7: {  	s28 =	simm.s32 $_size_execute0_lowered;
	s2 =	sadd.s32 s2, s4;
	[dreg:$0x0] =	wrdreg $0x0  }
0xa8: {  	s4 =	sshll.u32 s28, $0x1;
	[dreg:$0x2] =	wrdreg s2  }
0xa9: {  	[dreg:$0x3] =	wrdreg s4  }
0xaa: {  	[dreg:$0x4] =	wrdreg $0xC0  }
0xab: {  	_ =	task [dreg:s6], $0x5FFFF  }
0xac: {  	[dreg:$0x1] =	wrdreg $0xFFFFFFFF  }
0xad: {  	[dreg:$0x0] =	wrdreg $0x60  }
0xae: {  	[dreg:$0x2] =	wrdreg s24  }
0xaf: {  	[dreg:$0x3] =	wrdreg $0x90000  }
0xb0: {  	[dreg:$0x4] =	wrdreg $0x9  }
0xb1: {  	_ =	task.clear_ibuf [dreg:s6], $0x5FFFF;
	_ =	strace $0x9000004F  }
0xb2: {  	s29 =	simm.s32 $0x9;
	_ =	strace $0x80000051  }
0xb3: {  	_ =	swait.ge [sflag:s29], $0x1  }
0xb4: {  	[sflag:s29] =	ssyncadd.s32 $0xFFFFFFFF  }
0xb5: {  	_ =	strace $0x90000051  }
0xb6: {  	_ =	sfence  }
0xb7: {  	s30 =	sld [smem:$0x0];
	_ =	sdelay $0x2  }
0xb8: {  	s31 =	sshll.u32 s1, $0xD;
	s1 =	sshrl.u32 s1, $0x2  }
0xb9: {  	s3 =	sand.u32 $0x4000, s31;
	s1 =	sadd.s32 s1, s30  }
0xba: {  	s0 =	sor.u32 s3, s0;
	s1 =	sshll.u32 s1, $0x11  }
0xbb: {  	s0 =	sor.u32 s1, s0  }
0xbc: {  	s0 =	sadd.s32 $0x8F2B, s0  }
0xbd: {  	[sflag:s0] =	ssyncadd.remote.s32 $0x1  }
0xbe: {  	_ =	sfence.sel $0xFFFF  }
0xbf: {  	[dreg:$0x0] =	wrdreg $0xFFFFFFFF;
	(pc) =	sbr.abs _section_cstart, $3  }
0xc0: {  	[dreg:$0x1] =	wrdreg $0xFFFFFFFF  }
0xc1: {  	_ =	task.clear_ibuf [dreg:s6], $0x2FFFF;
	_ =	strace $0x9FFFFFFF  }
0xc2: {  	(tm) =	ssettm $0x7FFFFFFF  }
0xc3: {  	_ =	shalt  }
tec
execute0_lowered:
.L_overlay_start_1:
0x0: {  	(tag) =	ssettag $0x1  }
0x1: {  	s0 =	stileid.u32  }
0x2: {  	s1 =	srdreg.scid;
	s8 =	smul.u32 $0xA000, s0  }
0x3: {  	s6 =	sand.u32 $0x1, s1;
	s30 =	smul.u32 $0x2800, s0  }
0x4: {  	s9 =	sor.u32 $0x10, s0;
	s12 =	smul.u32 $0x138800, s6  }
0x5: {  	s11 =	sor.u32 $0x20, s0;
	s10 =	smul.u32 $0xA000, s9  }
0x6: {  	s14 =	sor.u32 $0x30, s0;
	s13 =	smul.u32 $0xA000, s11  }
0x7: {  	s16 =	sor.u32 $0x40, s0;
	s15 =	smul.u32 $0xA000, s14  }
0x8: {  	s18 =	sor.u32 $0x50, s0;
	s17 =	smul.u32 $0xA000, s16  }
0x9: {  	s21 =	sor.u32 $0x60, s0;
	s20 =	smul.u32 $0xA000, s18  }
0xa: {  	s22 =	smul.u32 $0xA000, s21  }
0xb: {  	s24 =	smul.u32 $0x2800, s9  }
0xc: {  	s5 =	rddreg [dreg:$0x0];
	s1 =	smul.u32 $0x2800, s11  }
0xd: {  	s2 =	rddreg [dreg:$0x1];
	s3 =	simm.s32 $0x0;
	s14 =	smul.u32 $0x2800, s14  }
0xe: {  	s4 =	sshll.u32 s0, $0x1;
	[smem:$0x7FF] =	sst s3;
	s16 =	smul.u32 $0x2800, s16  }
0xf: {  	s23 =	sadd.s32 $0x8D000, s5;
	s25 =	sor.u32 $0x70, s0;
	s18 =	smul.u32 $0x2800, s18  }
0x10: {  	s4 =	sor.u32 s6, s4;
	_ =	strace $0x80000050;
	s21 =	smul.u32 $0x2800, s21  }
0x11: {  	s26 =	ssub.s32 $0x2, s6;
	s0 =	smul.u32 $0x2800, s25;
	p0 =	sgt.u32 s25, $0x7C  }
0x12: {  	s7 =	smul.u32 $0x500, s4;
	s6 =	sshrl.u32 s26, $0x1;
	s8 =	sshrl.u32 s8, $0x2  }
0x13: {  	s4 =	sadd.s32 $0x65E00, s5;
	s19 =	ssub.s32 s26, s6;
	s8 =	sadd.s32 s8, s2  }
0x14: {  	s10 =	sshrl.u32 s10, $0x2;
	s31 =	sshrl.u32 s13, $0x2;
	s15 =	sshrl.u32 s15, $0x2  }
0x15: {  	s17 =	sshrl.u32 s17, $0x2;
	s20 =	sshrl.u32 s20, $0x2;
	s22 =	sshrl.u32 s22, $0x2  }
0x16: {  	s24 =	sadd.s32 s12, s24;
	s26 =	sadd.s32 s12, s14;
	s28 =	sadd.s32 s12, s16  }
0x17: {  	s29 =	sadd.s32 s12, s18;
	s21 =	sadd.s32 s12, s21;
	s7 =	sadd.s32 s7, s5  }
0x18: {  	s9 =	sadd.s32 s10, s2;
	s10 =	sadd.s32 s31, s2;
	s11 =	sadd.s32 s15, s2  }
0x19: {  	s31 =	sadd.s32 s12, s1;
	s1 =	smul.u32 $0xA000, s25;
	s13 =	sadd.s32 s20, s2  }
0x1a: {  	s14 =	sadd.s32 s22, s2;
	s18 =	sshrl.u32 s24, $0x3;
	s20 =	sshrl.u32 s26, $0x3  }
0x1b: {  	s22 =	sshrl.u32 s28, $0x3;
	s24 =	sshrl.u32 s29, $0x3;
	s26 =	sshrl.u32 s21, $0x3  }
0x1c: {  	s25 =	simm.s32 $0x2;
	s28 =	simm.s32 $0x7D;
	s29 =	simm.s32 $0x1  }
0x1d: {  	s5 =	sadd.s32 $0x5BE00, s7;
	s6 =	sadd.s32 $0x3C00, s7;
	s7 =	smax.u32 s19, $0x1  }
0x1e: {  	s19 =	sadd.s32 s12, s30;
	s30 =	sadd.s32 s12, s0;
	s12 =	sadd.s32 s17, s2  }
0x1f: {  	s21 =	sadd.s32 s23, s24;
	s24 =	simm.s32 $0x5000;
	s16 =	sshrl.u32 s1, $0x2  }
0x20: {  	s17 =	sshrl.u32 s19, $0x3;
	s19 =	sshrl.u32 s31, $0x3;
	s31 =	sshrl.u32 s30, $0x3  }
0x21: {  	s15 =	sadd.s32 s16, s2;
	s16 =	sadd.s32 s23, s17;
	s17 =	sadd.s32 s23, s18  }
0x22: {  	s18 =	sadd.s32 s23, s19;
	s19 =	sadd.s32 s23, s20;
	s20 =	sadd.s32 s23, s22  }
0x23: {  	v0 =	vimm.f32 $0.0e+00;
	s22 =	sadd.s32 s23, s26;
	s23 =	sadd.s32 s23, s31;
	s26 =	simm.s32 $0x2800  }
.LBB2_1:
0x24: {  	s30 =	simm.s32 $0x70;
	s31 =	simm.s32 $0x3C0  }
.LBB2_2:
0x25: {  	p1 =	sne.s32 s31, $0x9FC0;
	[tilespmem:s30+$0x5000] =	vst v0  }
0x26: {  	[tilespmem:s30+$0x4F90] =	vst v0  }
0x27: {  	[tilespmem:s30+$0x4FA0] =	vst v0  }
.Ltmp0:
0x28: {  	[tilespmem:s30+$0x4FB0] =	vst v0;
	(pc) =	sbr.rel @p1 .LBB2_2-.Ltmp0, $4  }
0x29: {  	[tilespmem:s30+$0x4FC0] =	vst v0  }
0x2a: {  	[tilespmem:s30+$0x4FD0] =	vst v0  }
0x2b: {  	[tilespmem:s30+$0x4FE0] =	vst v0  }
0x2c: {  	[tilespmem:s30+$0x4FF0] =	vst v0;
	s30 =	sshra.s32 s31, $0x2;
	s31 =	sadd.s32 $0x200, s31  }
0x2d: {  	[tilespmem:s30+$0x5000] =	vst v0  }
0x2e: {  	[tilespmem:s30+$0x4F90] =	vst v0  }
0x2f: {  	[tilespmem:s30+$0x4FA0] =	vst v0  }
0x30: {  	[tilespmem:s30+$0x4FB0] =	vst v0  }
0x31: {  	[tilespmem:s30+$0x4FC0] =	vst v0  }
0x32: {  	[tilespmem:s30+$0x4FD0] =	vst v0  }
0x33: {  	[tilespmem:s30+$0x4FE0] =	vst v0  }
0x34: {  	[tilespmem:s30+$0x4FF0] =	vst v0  }
0x35: {  	[spmem:s8] =	stream.linear.scatter [tilespmem:s24], [sflag:$0x2], $0x2800, $0x38;
	[tilespmem:$0x1C880] =	vst v63  }
0x36: {  	_ =	swait.ge [sflag:s25], $0x2800  }
0x37: {  	[sflag:s25] =	ssyncset.done $0x0  }
0x38: {  	[sflag:s25] =	ssyncadd.s32 $0xFFFFD800  }
0x39: {  	[spmem:s9] =	stream.linear.scatter [tilespmem:s24], [sflag:$0x2], $0x2800, $0x38;
	[tilespmem:$0x1C880] =	vst v63  }
0x3a: {  	_ =	swait.ge [sflag:s25], $0x2800  }
0x3b: {  	[sflag:s25] =	ssyncset.done $0x0  }
0x3c: {  	[sflag:s25] =	ssyncadd.s32 $0xFFFFD800  }
0x3d: {  	[spmem:s10] =	stream.linear.scatter [tilespmem:s24], [sflag:$0x2], $0x2800, $0x38;
	[tilespmem:$0x1C880] =	vst v63  }
0x3e: {  	_ =	swait.ge [sflag:s25], $0x2800  }
0x3f: {  	[sflag:s25] =	ssyncset.done $0x0  }
0x40: {  	[sflag:s25] =	ssyncadd.s32 $0xFFFFD800  }
0x41: {  	[spmem:s11] =	stream.linear.scatter [tilespmem:s24], [sflag:$0x2], $0x2800, $0x38;
	[tilespmem:$0x1C880] =	vst v63  }
0x42: {  	_ =	swait.ge [sflag:s25], $0x2800  }
0x43: {  	[sflag:s25] =	ssyncset.done $0x0  }
0x44: {  	[sflag:s25] =	ssyncadd.s32 $0xFFFFD800  }
0x45: {  	[spmem:s12] =	stream.linear.scatter [tilespmem:s24], [sflag:$0x2], $0x2800, $0x38;
	[tilespmem:$0x1C880] =	vst v63  }
0x46: {  	_ =	swait.ge [sflag:s25], $0x2800  }
0x47: {  	[sflag:s25] =	ssyncset.done $0x0  }
0x48: {  	[sflag:s25] =	ssyncadd.s32 $0xFFFFD800  }
0x49: {  	[spmem:s13] =	stream.linear.scatter [tilespmem:s24], [sflag:$0x2], $0x2800, $0x38;
	[tilespmem:$0x1C880] =	vst v63  }
0x4a: {  	_ =	swait.ge [sflag:s25], $0x2800  }
0x4b: {  	[sflag:s25] =	ssyncset.done $0x0  }
0x4c: {  	[sflag:s25] =	ssyncadd.s32 $0xFFFFD800  }
0x4d: {  	[spmem:s14] =	stream.linear.scatter [tilespmem:s24], [sflag:$0x2], $0x2800, $0x38;
	[tilespmem:$0x1C880] =	vst v63  }
0x4e: {  	_ =	swait.ge [sflag:s25], $0x2800  }
0x4f: {  	[sflag:s25] =	ssyncset.done $0x0  }
0x50: {  	s30 =	simm.s32 @!p0 $0x5000;
	[sflag:s25] =	ssyncadd.s32 $0xFFFFD800  }
0x51: {  	[spmem:s15] =	stream.linear.scatter @!p0 [tilespmem:s30], [sflag:$0x2], $0x2800, $0x38;
	[tilespmem:$0x1C880] =	vst v63  }
0x52: {  	s30 =	simm.s32 @!p0 $0x2  }
0x53: {  	_ =	swait.ge @!p0 [sflag:s30], $0x2800  }
0x54: {  	[sflag:s30] =	ssyncset.done @!p0 $0x0  }
0x55: {  	[sflag:s30] =	ssyncadd.s32 @!p0 $0xFFFFD800  }
0x56: {  	s30 =	simm.s32 $0x0;
	[bflag:$0x0] =	sbarrier.arrive $0xFFFF  }
0x57: {  	[tilespmem:s30], [sflag:$0x2] =	stream.linear.gather [hbm4b:s5+s30], $0x2800, $0x38;
	[tilespmem:$0x1C880] =	vst v63  }
0x58: {  	_ =	swait.ge [sflag:s25], $0x2800  }
0x59: {  	[sflag:s25] =	ssyncset.done $0x0  }
0x5a: {  	[sflag:s25] =	ssyncadd.s32 $0xFFFFD800  }
0x5b: {  	[tilespmem:s26], [sflag:$0x2] =	stream.linear.gather [hbm4b:s6+s30], $0x2800, $0x38;
	[tilespmem:$0x1C880] =	vst v63  }
0x5c: {  	_ =	swait.ge [sflag:s25], $0x2800  }
0x5d: {  	[sflag:s25] =	ssyncset.done $0x0  }
0x5e: {  	s30 =	simm.s32 $0x0;
	[sflag:s25] =	ssyncadd.s32 $0xFFFFD800  }
0x5f: {  	[tilespmem:s24], [sflag:$0x1] =	stream.indirect.gather [hbm4b:s4+s28], $0x80, s30, s28, $0xb8;
	[tilespmem:$0x1C880] =	vst v63  }
0x60: {  	_ =	swait.ge [sflag:s29], $0x3E80  }
0x61: {  	[sflag:s29] =	ssyncset.done $0x0  }
0x62: {  	s30 =	simm.s32 $0x2800;
	[sflag:s29] =	ssyncadd.s32 $0xFFFFC180  }
0x63: {  	[spmem:s2] =	stream.indirect.scatter.add.f32 [tilespmem:s24], [sflag:$0x2], $0x80, s30, s28, $0xb8;
	[tilespmem:$0x1C880] =	vst v63  }
0x64: {  	_ =	swait.ge [sflag:s25], $0x3E80  }
0x65: {  	s31 =	simm.s32 $0x400;
	s30 =	simm.s32 $0x200;
	[sflag:s25] =	ssyncset.done $0x0  }
.LBB2_4:
0x66: {  	s1 =	sshra.s32 s30, $0x2  }
0x67: {  	[sflag:s25] =	ssyncadd.s32 $0xFFFFC180;
	s30 =	smov.u32 s31;
	s0 =	sadd.s32 $0x200, s31  }
0x68: {  	[tilespmem:s24], [sflag:$0x1] =	stream.indirect.gather [hbm4b:s4+s28], $0x80, s1, s28, $0xb8;
	[tilespmem:$0x1C880] =	vst v63  }
0x69: {  	p1 =	sne.s32 s31, $0x9E00;
	_ =	swait.ge [sflag:s29], $0x3E80  }
.Ltmp1:
0x6a: {  	[sflag:s29] =	ssyncset.done $0x0;
	(pc) =	sbr.rel @p1 .LBB2_4-.Ltmp1, $4  }
0x6b: {  	s1 =	sadd.s32 $0x2800, s1;
	[sflag:s29] =	ssyncadd.s32 $0xFFFFC180  }
0x6c: {  	[spmem:s2] =	stream.indirect.scatter.add.f32 [tilespmem:s24], [sflag:$0x2], $0x80, s1, s28, $0xb8;
	[tilespmem:$0x1C880] =	vst v63  }
0x6d: {  	_ =	swait.ge [sflag:s25], $0x3E80  }
0x6e: {  	s31 =	smov.u32 s0;
	[sflag:s25] =	ssyncset.done $0x0  }
0x6f: {  	s0 =	sshra.s32 s30, $0x2;
	[sflag:s25] =	ssyncadd.s32 $0xFFFFC180  }
0x70: {  	[tilespmem:s24], [sflag:$0x1] =	stream.indirect.gather [hbm4b:s4+s28], $0x80, s0, s28, $0xb8;
	[tilespmem:$0x1C880] =	vst v63  }
0x71: {  	_ =	swait.ge [sflag:s29], $0x3E80  }
0x72: {  	[sflag:s29] =	ssyncset.done $0x0  }
0x73: {  	s0 =	sadd.s32 $0x2800, s0;
	[sflag:s29] =	ssyncadd.s32 $0xFFFFC180  }
0x74: {  	[spmem:s2] =	stream.indirect.scatter.add.f32 [tilespmem:s24], [sflag:$0x2], $0x80, s0, s28, $0xb8;
	[tilespmem:$0x1C880] =	vst v63  }
0x75: {  	_ =	swait.ge [sflag:s25], $0x3E80  }
0x76: {  	s1 =	stileid.u32;
	[sflag:s25] =	ssyncset.done $0x0  }
0x77: {  	s0 =	sshll.u32 s1, $0x6;
	[sflag:s25] =	ssyncadd.s32 $0xFFFFC180  }
0x78: {  	s1 =	sshrl.u32 s8, $0x3;
	s0 =	sor.u32 $0x1C02, s0;
	[bflag:$0x0] =	sbarrier.arrive $0xFFFF  }
0x79: {  	[hbm:s16], [sflag:s0] =	dma.local [spmem:s1], $0x500  }
0x7a: {  	_ =	swait.ge [sflag:s25], $0x500  }
0x7b: {  	[sflag:s25] =	ssyncset.done $0x0  }
0x7c: {  	s30 =	sshrl.u32 s9, $0x3;
	[sflag:s25] =	ssyncadd.s32 $0xFFFFFB00  }
0x7d: {  	[hbm:s17], [sflag:s0] =	dma.local [spmem:s30], $0x500  }
0x7e: {  	_ =	swait.ge [sflag:s25], $0x500  }
0x7f: {  	[sflag:s25] =	ssyncset.done $0x0  }
0x80: {  	s31 =	sshrl.u32 s10, $0x3;
	[sflag:s25] =	ssyncadd.s32 $0xFFFFFB00  }
0x81: {  	[hbm:s18], [sflag:s0] =	dma.local [spmem:s31], $0x500  }
0x82: {  	_ =	swait.ge [sflag:s25], $0x500  }
0x83: {  	[sflag:s25] =	ssyncset.done $0x0  }
0x84: {  	s30 =	sshrl.u32 s11, $0x3;
	[sflag:s25] =	ssyncadd.s32 $0xFFFFFB00  }
0x85: {  	[hbm:s19], [sflag:s0] =	dma.local [spmem:s30], $0x500  }
0x86: {  	_ =	swait.ge [sflag:s25], $0x500  }
0x87: {  	[sflag:s25] =	ssyncset.done $0x0  }
0x88: {  	s31 =	sshrl.u32 s12, $0x3;
	[sflag:s25] =	ssyncadd.s32 $0xFFFFFB00  }
0x89: {  	[hbm:s20], [sflag:s0] =	dma.local [spmem:s31], $0x500  }
0x8a: {  	_ =	swait.ge [sflag:s25], $0x500  }
0x8b: {  	[sflag:s25] =	ssyncset.done $0x0  }
0x8c: {  	s30 =	sshrl.u32 s13, $0x3;
	[sflag:s25] =	ssyncadd.s32 $0xFFFFFB00  }
0x8d: {  	[hbm:s21], [sflag:s0] =	dma.local [spmem:s30], $0x500  }
0x8e: {  	_ =	swait.ge [sflag:s25], $0x500  }
0x8f: {  	[sflag:s25] =	ssyncset.done $0x0  }
0x90: {  	s31 =	sshrl.u32 s14, $0x3;
	[sflag:s25] =	ssyncadd.s32 $0xFFFFFB00  }
0x91: {  	[hbm:s22], [sflag:s0] =	dma.local [spmem:s31], $0x500  }
0x92: {  	_ =	swait.ge [sflag:s25], $0x500  }
0x93: {  	s3 =	sadd.s32 $0x1, s3;
	[sflag:s25] =	ssyncset.done $0x0  }
0x94: {  	p1 =	sne.s32 s3, s7;
	s1 =	sshrl.u32 @!p0 s15, $0x3;
	[sflag:s25] =	ssyncadd.s32 $0xFFFFFB00  }
0x95: {  	[hbm:s23], [sflag:s0] =	dma.local @!p0 [spmem:s1], $0x500  }
.Ltmp2:
0x96: {  	_ = 	snop;
	(pc) =	sbr.rel @p1 .LBB2_1-.Ltmp2, $4  }
0x97: {  	s0 =	simm.s32 @!p0 $0x2  }
0x98: {  	_ =	swait.ge @!p0 [sflag:s0], $0x500  }
0x99: {  	[sflag:s0] =	ssyncset.done @!p0 $0x0  }
0x9a: {  	[sflag:s0] =	ssyncadd.s32 @!p0 $0xFFFFFB00  }
0x9b: {  	_ =	sfence.sel $0x180000  }
0x9c: {  	[bflag:$0x0] =	sbarrier.arrive $0xFFFF  }
0x9d: {  	_ =	strace $0x90000050  }
0x9e: {  	s0 =	stileid.u32;
	[bflag:$0x2] =	sbarrier.arrive $0xFFFF  }
0x9f: {  	p0 =	sne.s32 s0, $0x0;
	s0 =	rddreg [dreg:$0x2]  }
0xa0: {  	s0 =	sadd.s32 @!p0 $0x100000, s0  }
0xa1: {  	[sflag:s0] =	ssyncadd.tile.s32 @!p0 $0x1;
	_ =	shalt  }
.Lfunc_end2:
_tile_overlayer_lowered:
.L_overlay_start_2:
0xa2: {  	(tag) =	ssettag $0x2  }
0xa3: {  	s0 =	rddreg [dreg:$0x0];
	s2 =	stileid.u32  }
0xa4: {  	s1 =	rddreg [dreg:$0x1];
	p0 =	sne.s32 s2, $0x0  }
0xa5: {  	s3 =	rddreg [dreg:$0x2];
	[bflag:$0x3] =	sbarrier.arrive $0xFFFF;
	s2 =	simm.s32 @!p0 $0x1C02  }
0xa6: {  	[timem:s3], [sflag:s2] =	dma.local @!p0 [hbm:s0], s1  }
0xa7: {  	s0 =	simm.s32 @!p0 $0x2  }
0xa8: {  	_ =	swait.ge @!p0 [sflag:s0], s1  }
0xa9: {  	s1 =	ssub.s32 @!p0 $0x0, s1;
	[sflag:s0] =	ssyncset.done @!p0 $0x0  }
0xaa: {  	[sflag:s0] =	ssyncadd.s32 @!p0 s1  }
0xab: {  	[bflag:$0x3] =	sbarrier.arrive $0xFFFF  }
0xac: {  	_ =	shalt  }

</sc_bundles>
